<compile_context>
chip_gen: v7x
topology: tpu7x:2x2x1
jax: 0.10.2.dev20260603
libtpu: 0.0.44.dev20260713+nightly
codegen_flags: <defaults>
</compile_context>

<pallas_src>
import functools

import jax
import jax.numpy as jnp
from jax import lax
from jax.experimental import pallas as pl
from jax.experimental.pallas import tpu as pltpu
from jax.experimental.pallas import tpu_sc as plsc

_N = 10000
_E = 320000
_D = 128
_H = 256
_C = 40

_NC = 2
_NS = 16
_NW = _NC * _NS
_L = 16

_CHUNK = 80
_STAGE = 2000
_SCH = _STAGE // _CHUNK
_EPT1 = _E // _NS
_NST1 = _EPT1 // _STAGE
_EPT2 = _E // _NW
_NCH2 = _EPT2 // _CHUNK
_NP = 10240
_RPT = _NP // _NS
_ZROWS = 64

_BLK = 2000
_NBLK = 2048
_EBLK = 2000


def _n1_body(x_ref, w1_ref, b1_ref, t_ref):
    xb = x_ref[...]
    w1 = w1_ref[...]
    a = jnp.dot(xb, w1[:_D, :], preferred_element_type=jnp.float32)
    b = jnp.dot(xb, w1[_D:, :], preferred_element_type=jnp.float32) + b1_ref[...]
    t_ref[0] = a[:, :_D]
    t_ref[1] = a[:, _D:]
    t_ref[2] = b[:, :_D]
    t_ref[3] = b[:, _D:]


def _node1(x, W1, b1):
    return pl.pallas_call(
        _n1_body,
        grid=(_N // _BLK,),
        in_specs=[
            pl.BlockSpec((_BLK, _D), lambda i: (i, 0)),
            pl.BlockSpec((2 * _D, _H), lambda i: (0, 0)),
            pl.BlockSpec((1, _H), lambda i: (0, 0)),
        ],
        out_specs=pl.BlockSpec((4, _BLK, _D), lambda i: (0, i, 0)),
        out_shape=jax.ShapeDtypeStruct((4, _N, _D), jnp.float32),
    )(x, W1, b1)


def _sc1_body(t_hbm, src_hbm, dst_hbm, agg_hbm,
              sbuf, dbuf, bbuf, didxc,
              bufa, bufb, zrow, agg_sh, sem_a, sem_b):
    c = lax.axis_index("c")
    s = lax.axis_index("s")
    ebase = s * _EPT1

    def _zfill(i, _):
        for f in range(_D // _L):
            zrow[i, pl.ds(f * _L, _L)] = jnp.zeros((_L,), jnp.float32)
        return 0
    lax.fori_loop(0, _ZROWS, _zfill, 0)

    def _zcopy(k, _):
        pltpu.sync_copy(zrow, agg_sh.at[pl.ds(s * _RPT + k * _ZROWS, _ZROWS)])
        return 0
    lax.fori_loop(0, _RPT // _ZROWS, _zcopy, 0)

    plsc.subcore_barrier()

    aoff = c * _N
    boff = (2 + c) * _N

    def _stage(k, _):
        sbase = ebase + k * _STAGE
        pltpu.sync_copy(src_hbm.at[pl.ds(sbase, _STAGE)], sbuf)
        pltpu.sync_copy(dst_hbm.at[pl.ds(sbase, _STAGE)], dbuf)

        def _adj(i, _):
            sl = pl.ds(i * _L, _L)
            sbuf[sl] = sbuf[sl] + aoff
            bbuf[sl] = dbuf[sl] + boff
            return 0
        lax.fori_loop(0, _STAGE // _L, _adj, 0)

        def _chunk(i, _):
            base = i * _CHUNK
            sl = pl.ds(base, _CHUNK)
            for f in range(_CHUNK // _L):
                didxc[pl.ds(f * _L, _L)] = dbuf[pl.ds(base + f * _L, _L)]
            cp_a = pltpu.async_copy(t_hbm.at[sbuf.at[sl]], bufa, sem_a)
            cp_b = pltpu.async_copy(t_hbm.at[bbuf.at[sl]], bufb, sem_b)
            cp_a.wait()
            cp_b.wait()

            def _edge(j, _):
                for f in range(_D // _L):
                    fsl = pl.ds(f * _L, _L)
                    bufb[j, fsl] = jnp.maximum(bufa[j, fsl] + bufb[j, fsl], 0.0)
                return 0
            lax.fori_loop(0, _CHUNK, _edge, 0)
            pltpu.sync_copy(bufb, agg_sh.at[didxc], add=True)
            return 0
        lax.fori_loop(0, _SCH, _chunk, 0)
        return 0
    lax.fori_loop(0, _NST1, _stage, 0)

    plsc.subcore_barrier()

    def _cout(k, _):
        rows = pl.ds(s * _RPT + k * _ZROWS, _ZROWS)
        pltpu.sync_copy(agg_sh.at[rows], zrow)
        pltpu.sync_copy(zrow, agg_hbm.at[c].at[rows])
        return 0
    lax.fori_loop(0, _RPT // _ZROWS, _cout, 0)


def _sc_agg(t, src, dst):
    mesh = plsc.VectorSubcoreMesh(core_axis_name="c", subcore_axis_name="s",
                                  num_cores=_NC, num_subcores=_NS)
    f = pl.kernel(
        _sc1_body,
        out_type=jax.ShapeDtypeStruct((_NC, _NP, _D), jnp.float32),
        mesh=mesh,
        scratch_types=[
            pltpu.VMEM((_STAGE,), jnp.int32),
            pltpu.VMEM((_STAGE,), jnp.int32),
            pltpu.VMEM((_STAGE,), jnp.int32),
            pltpu.VMEM((_CHUNK,), jnp.int32),
            pltpu.VMEM((_CHUNK, _D), jnp.float32),
            pltpu.VMEM((_CHUNK, _D), jnp.float32),
            pltpu.VMEM((_ZROWS, _D), jnp.float32),
            pltpu.VMEM_SHARED((_NP, _D), jnp.float32),
            pltpu.SemaphoreType.DMA,
            pltpu.SemaphoreType.DMA,
        ],
    )
    return f(t, src, dst)


def _n2_body(agg_ref, w2_ref, b2_ref, wa_ref, ba_ref, pq_ref):
    w2 = w2_ref[...]
    wa = wa_ref[...]
    h = jnp.dot(agg_ref[0], w2[:_D, :], preferred_element_type=jnp.float32)
    h = h + jnp.dot(agg_ref[1], w2[_D:, :], preferred_element_type=jnp.float32)
    h = jnp.maximum(h + b2_ref[...], 0.0)
    pq_ref[0] = jnp.dot(h, wa[:_D, :], preferred_element_type=jnp.float32)
    pq_ref[1] = jnp.dot(h, wa[_D:, :], preferred_element_type=jnp.float32) + ba_ref[...]


def _node2(agg, W2, b2, Wa, ba):
    return pl.pallas_call(
        _n2_body,
        grid=(_NP // _NBLK,),
        in_specs=[
            pl.BlockSpec((2, _NBLK, _D), lambda i: (0, i, 0)),
            pl.BlockSpec((_H, _D), lambda i: (0, 0)),
            pl.BlockSpec((1, _D), lambda i: (0, 0)),
            pl.BlockSpec((_H, _D), lambda i: (0, 0)),
            pl.BlockSpec((1, _D), lambda i: (0, 0)),
        ],
        out_specs=pl.BlockSpec((2, _NBLK, _D), lambda i: (0, i, 0)),
        out_shape=jax.ShapeDtypeStruct((2, _NP, _D), jnp.float32),
    )(agg, W2, b2, Wa, ba)


def _sc2_body(pq_hbm, src_hbm, dst_hbm, he_hbm,
              aidx, bidx, bufa, bufb, sem_a, sem_b):
    c = lax.axis_index("c")
    s = lax.axis_index("s")
    wid = s * _NC + c
    ebase = wid * _EPT2

    pltpu.sync_copy(src_hbm.at[pl.ds(ebase, _EPT2)], aidx)
    pltpu.sync_copy(dst_hbm.at[pl.ds(ebase, _EPT2)], bidx)

    def _adj(i, _):
        sl = pl.ds(i * _L, _L)
        bidx[sl] = bidx[sl] + _NP
        return 0
    lax.fori_loop(0, _EPT2 // _L, _adj, 0)

    def _chunk(i, _):
        base = i * _CHUNK
        sl = pl.ds(base, _CHUNK)
        cp_a = pltpu.async_copy(pq_hbm.at[aidx.at[sl]], bufa, sem_a)
        cp_b = pltpu.async_copy(pq_hbm.at[bidx.at[sl]], bufb, sem_b)
        cp_a.wait()
        cp_b.wait()

        def _edge(j, _):
            for f in range(_D // _L):
                fsl = pl.ds(f * _L, _L)
                bufb[j, fsl] = jnp.maximum(bufa[j, fsl] + bufb[j, fsl], 0.0)
            return 0
        lax.fori_loop(0, _CHUNK, _edge, 0)
        pltpu.sync_copy(bufb, he_hbm.at[pl.ds(ebase + base, _CHUNK)])
        return 0
    lax.fori_loop(0, _NCH2, _chunk, 0)


def _sc_head_edges(pq, src, dst):
    mesh = plsc.VectorSubcoreMesh(core_axis_name="c", subcore_axis_name="s",
                                  num_cores=_NC, num_subcores=_NS)
    f = pl.kernel(
        _sc2_body,
        out_type=jax.ShapeDtypeStruct((_E, _D), jnp.float32),
        mesh=mesh,
        scratch_types=[
            pltpu.VMEM((_EPT2,), jnp.int32),
            pltpu.VMEM((_EPT2,), jnp.int32),
            pltpu.VMEM((_CHUNK, _D), jnp.float32),
            pltpu.VMEM((_CHUNK, _D), jnp.float32),
            pltpu.SemaphoreType.DMA,
            pltpu.SemaphoreType.DMA,
        ],
    )
    return f(pq, src, dst)


def _head_body(he_ref, wb_ref, bb_ref, out_ref):
    logits = jnp.dot(he_ref[...], wb_ref[...], preferred_element_type=jnp.float32)
    logits = logits + bb_ref[...]
    col = lax.broadcasted_iota(jnp.int32, logits.shape, 1)
    logits = jnp.where(col < _C, logits, -1e30)
    m = jnp.max(logits, axis=1, keepdims=True)
    z = jnp.exp(logits - m)
    lse = m + jnp.log(jnp.sum(z, axis=1, keepdims=True))
    out_ref[...] = (logits - lse)[:, :_C]


def _head(he, Wbp, bbp):
    return pl.pallas_call(
        _head_body,
        grid=(_E // _EBLK,),
        in_specs=[
            pl.BlockSpec((_EBLK, _D), lambda i: (i, 0)),
            pl.BlockSpec((_D, _D), lambda i: (0, 0)),
            pl.BlockSpec((1, _D), lambda i: (0, 0)),
        ],
        out_specs=pl.BlockSpec((_EBLK, _C), lambda i: (i, 0)),
        out_shape=jax.ShapeDtypeStruct((_E, _C), jnp.float32),
    )(he, Wbp, bbp)


def kernel(x, edge_index, W1, b1, W2, b2, Wa, ba, Wb, bb):
    src = edge_index[0]
    dst = edge_index[1]
    t = _node1(x, W1, b1.reshape(1, _H)).reshape(4 * _N, _D)
    agg = _sc_agg(t, src, dst)
    pq = _node2(agg, W2, b2.reshape(1, _D), Wa, ba.reshape(1, _D))
    he = _sc_head_edges(pq.reshape(2 * _NP, _D), src, dst)
    wbp = jnp.zeros((_D, _D), jnp.float32).at[:, :_C].set(Wb)
    bbp = jnp.zeros((1, _D), jnp.float32).at[:, :_C].set(bb)
    return _head(he, wbp, bbp)

# --- scband reference (transcript-rebuilt; emitter-appended) ---
"""Pipeline reference for scband-model-5557687681586 (READ-ONLY COPY).

The authoritative reference and input builder live on the scoring server;
editing this copy changes nothing except your own understanding.
"""

import jax, jax.numpy as jnp
import numpy as np

N = 10000
E = 320000
D = 128    # node_dim
H = 256    # hidden_dim in Node2Edge2NodeBlock
OUT = 128  # block out_dim
C = 40     # num_classes


def setup_inputs(seed: int = 0) -> dict:
    key = jax.random.key(seed)
    ks = jax.random.split(key, 12)
    x = jax.random.normal(ks[0], (N, D), dtype=jnp.float32)
    edge_index = jax.random.randint(ks[1], (2, E), 0, N, dtype=jnp.int32)
    # Node2Edge2NodeBlock params: edge MLP (2*D -> H), node update (H -> OUT)
    W1 = jax.random.normal(ks[2], (2 * D, H), dtype=jnp.float32) * 0.05
    b1 = jnp.zeros((H,), dtype=jnp.float32)
    W2 = jax.random.normal(ks[3], (H, OUT), dtype=jnp.float32) * 0.05
    b2 = jnp.zeros((OUT,), dtype=jnp.float32)
    # Final Node2Edge net: Linear(2*128, 128) -> ReLU -> Linear(128, C) -> LogSoftmax
    Wa = jax.random.normal(ks[4], (2 * OUT, 128), dtype=jnp.float32) * 0.05
    ba = jnp.zeros((128,), dtype=jnp.float32)
    Wb = jax.random.normal(ks[5], (128, C), dtype=jnp.float32) * 0.05
    bb = jnp.zeros((C,), dtype=jnp.float32)
    return {"x": x, "edge_index": edge_index, "W1": W1, "b1": b1,
            "W2": W2, "b2": b2, "Wa": Wa, "ba": ba, "Wb": Wb, "bb": bb}


def reference(x, edge_index, W1, b1, W2, b2, Wa, ba, Wb, bb):
    src = edge_index[0]
    dst = edge_index[1]
    # --- Node2Edge2NodeBlock ---
    # node -> edge: concat endpoint features, edge MLP
    e = jnp.concatenate([jnp.take(x, src, axis=0), jnp.take(x, dst, axis=0)], axis=-1)
    e = jax.nn.relu(e @ W1 + b1)                       # [E, H]
    # edge -> node: scatter-add over destination nodes
    agg = jax.ops.segment_sum(e, dst, num_segments=N)  # [N, H]
    h = jax.nn.relu(agg @ W2 + b2)                     # [N, OUT]
    # --- Node2Edge head ---
    he = jnp.concatenate([jnp.take(h, src, axis=0), jnp.take(h, dst, axis=0)], axis=-1)
    he = jax.nn.relu(he @ Wa + ba)
    logits = he @ Wb + bb                              # [E, C]
    return jax.nn.log_softmax(logits, axis=-1)

if __name__ == "__main__":
    import jax
    _d = setup_inputs()
    print(jax.jit(kernel)(*tuple(_d.values())))

</pallas_src>

<mosaic_0001>
#map = affine_map<(d0, d1) -> (0, 0)>
#map1 = affine_map<(d0, d1) -> (0)>
module attributes {stable_mosaic.version = 14 : i64} {
  func.func @_sc2_body(%arg0: i32, %arg1: i32, %arg2: memref<20480x128xf32, #tpu.memory_space<hbm>>, %arg3: memref<320000xi32, #tpu.memory_space<hbm>>, %arg4: memref<320000xi32, #tpu.memory_space<hbm>>, %arg5: memref<320000x128xf32, #tpu.memory_space<hbm>>, %arg6: memref<10000xi32, #tpu.memory_space<vmem>>, %arg7: memref<10000xi32, #tpu.memory_space<vmem>>, %arg8: memref<80x128xf32, #tpu.memory_space<vmem>>, %arg9: memref<80x128xf32, #tpu.memory_space<vmem>>, %arg10: memref<!tpu.dma_semaphore, #tpu.memory_space<semaphore_mem>>, %arg11: memref<!tpu.dma_semaphore, #tpu.memory_space<semaphore_mem>>) attributes {dimension_semantics = [#tpu.dimension_semantics<core_parallel>, #tpu.dimension_semantics<subcore_parallel>], iteration_bounds = array<i64: 2, 16>, scalar_prefetch = 0 : i64, scratch_operands = 6 : i64, tpu.core_type = #tpu.core_type<sc_vector_subcore>, window_params = [{transform_indices = #map}, {transform_indices = #map1}, {transform_indices = #map1}, {transform_indices = #map}]} {
    %mul3A = arith.constant 2 : i32
    %mul3A_0 = arith.muli %arg1, %mul3A : i32
    %add3A = arith.addi %mul3A_0, %arg0 : i32
    %mul3A_1 = arith.constant 10000 : i32
    %mul3A_2 = arith.muli %add3A, %mul3A_1 : i32
    "tpu.region"() ({
      %run_scoped3A = tpu.sem_alloc : memref<!tpu.dma_semaphore, #tpu.memory_space<semaphore_mem>>
      %dma_start3A = tpu.memref_slice %arg3[%mul3A_2] : memref<320000xi32, #tpu.memory_space<hbm>> -> memref<10000xi32, #tpu.memory_space<hbm>>
      %dma_start3A_16 = tpu.memref_slice %arg3[%mul3A_2] : memref<320000xi32, #tpu.memory_space<hbm>> -> memref<10000xi32, #tpu.memory_space<hbm>>
      tpu.enqueue_dma source(%dma_start3A_16 : memref<10000xi32, #tpu.memory_space<hbm>>) target(%arg6 : memref<10000xi32, #tpu.memory_space<vmem>>) target_semaphore(%run_scoped3A : memref<!tpu.dma_semaphore, #tpu.memory_space<semaphore_mem>>)
      %dma_wait3A = tpu.memref_slice %arg3[%mul3A_2] : memref<320000xi32, #tpu.memory_space<hbm>> -> memref<10000xi32, #tpu.memory_space<hbm>>
      %dma_wait3A_17 = tpu.memref_slice %arg3[%mul3A_2] : memref<320000xi32, #tpu.memory_space<hbm>> -> memref<10000xi32, #tpu.memory_space<hbm>>
      tpu.wait_dma2 semaphore(%run_scoped3A : memref<!tpu.dma_semaphore, #tpu.memory_space<semaphore_mem>>) src(%dma_wait3A_17 : memref<10000xi32, #tpu.memory_space<hbm>>) dst(%arg6 : memref<10000xi32, #tpu.memory_space<vmem>>)
      tpu.yield
    }) : () -> ()
    "tpu.region"() ({
      %run_scoped3A = tpu.sem_alloc : memref<!tpu.dma_semaphore, #tpu.memory_space<semaphore_mem>>
      %dma_start3A = tpu.memref_slice %arg4[%mul3A_2] : memref<320000xi32, #tpu.memory_space<hbm>> -> memref<10000xi32, #tpu.memory_space<hbm>>
      %dma_start3A_16 = tpu.memref_slice %arg4[%mul3A_2] : memref<320000xi32, #tpu.memory_space<hbm>> -> memref<10000xi32, #tpu.memory_space<hbm>>
      tpu.enqueue_dma source(%dma_start3A_16 : memref<10000xi32, #tpu.memory_space<hbm>>) target(%arg7 : memref<10000xi32, #tpu.memory_space<vmem>>) target_semaphore(%run_scoped3A : memref<!tpu.dma_semaphore, #tpu.memory_space<semaphore_mem>>)
      %dma_wait3A = tpu.memref_slice %arg4[%mul3A_2] : memref<320000xi32, #tpu.memory_space<hbm>> -> memref<10000xi32, #tpu.memory_space<hbm>>
      %dma_wait3A_17 = tpu.memref_slice %arg4[%mul3A_2] : memref<320000xi32, #tpu.memory_space<hbm>> -> memref<10000xi32, #tpu.memory_space<hbm>>
      tpu.wait_dma2 semaphore(%run_scoped3A : memref<!tpu.dma_semaphore, #tpu.memory_space<semaphore_mem>>) src(%dma_wait3A_17 : memref<10000xi32, #tpu.memory_space<hbm>>) dst(%arg7 : memref<10000xi32, #tpu.memory_space<vmem>>)
      tpu.yield
    }) : () -> ()
    %scan3A = arith.constant 0 : i32
    %scan3A_3 = arith.constant 0 : i32
    %scan3A_4 = arith.constant 625 : i32
    %scan3A_5 = arith.addi %scan3A_3, %scan3A_4 : i32
    %scan3A_6 = arith.constant 1 : i32
    %scan3A_7 = scf.for %scan3A_16 = %scan3A_3 to %scan3A_5 step %scan3A_6 iter_args(%scan3A_17 = %scan3A) -> (i32)  : i32 {
      %mul3A_18 = arith.constant 16 : i32
      %mul3A_19 = arith.muli %scan3A_16, %mul3A_18 : i32
      %get3A = arith.index_cast %mul3A_19 : i32 to index
      %get3A_20 = tpu.vector_load %arg7[%get3A] {strides = array<i32>} : memref<10000xi32, #tpu.memory_space<vmem>>, vector<16xi32>,
      %get3A_21 = vector.shape_cast %get3A_20 : vector<16xi32> to vector<16xi32>
      %add3A_22 = arith.constant 10240 : i32
      %add3A_23 = vector.broadcast %add3A_22 : i32 to vector<16xi32>
      %add3A_24 = arith.addi %get3A_21, %add3A_23 : vector<16xi32>
      %swap3A = arith.index_cast %mul3A_19 : i32 to index
      %swap3A_25 = tpu.vector_load %arg7[%swap3A] {strides = array<i32>} : memref<10000xi32, #tpu.memory_space<vmem>>, vector<16xi32>,
      %swap3A_26 = vector.shape_cast %swap3A_25 : vector<16xi32> to vector<16xi32>
      %swap3A_27 = vector.shape_cast %add3A_24 : vector<16xi32> to vector<16xi32>
      tpu.vector_store %arg7[%swap3A], %swap3A_27 {strides = array<i32>} : memref<10000xi32, #tpu.memory_space<vmem>>, vector<16xi32>,
      %scan3A_28 = arith.constant 0 : i32
      scf.yield %scan3A_28 : i32
    }
    %scan3A_8 = arith.constant 625 : i32
    %scan3A_9 = arith.constant 0 : i32
    %scan3A_10 = arith.constant 0 : i32
    %scan3A_11 = arith.constant 125 : i32
    %scan3A_12 = arith.addi %scan3A_10, %scan3A_11 : i32
    %scan3A_13 = arith.constant 1 : i32
    %scan3A_14 = scf.for %scan3A_16 = %scan3A_10 to %scan3A_12 step %scan3A_13 iter_args(%scan3A_17 = %scan3A_9) -> (i32)  : i32 {
      %mul3A_18 = arith.constant 80 : i32
      %mul3A_19 = arith.muli %scan3A_16, %mul3A_18 : i32
      %dma_start3A = tpu.memref_slice %arg6[%mul3A_19] : memref<10000xi32, #tpu.memory_space<vmem>> -> memref<80xi32, #tpu.memory_space<vmem>>
      %dma_start3A_20 = arith.constant 0 : i32
      %dma_start3A_21 = arith.constant 0 : i32
      %dma_start3A_22 = tpu.memref_slice %arg2[%dma_start3A_20, %dma_start3A_21] : memref<20480x128xf32, #tpu.memory_space<hbm>> -> memref<20480x128xf32, #tpu.memory_space<hbm>>
      tpu.enqueue_indirect_dma source(%dma_start3A_22 : memref<20480x128xf32, #tpu.memory_space<hbm>>) target(%arg8 : memref<80x128xf32, #tpu.memory_space<vmem>>) offsets(%dma_start3A : memref<80xi32, #tpu.memory_space<vmem>>) semaphore(%arg10 : memref<!tpu.dma_semaphore, #tpu.memory_space<semaphore_mem>>)
      %dma_start3A_23 = tpu.memref_slice %arg7[%mul3A_19] : memref<10000xi32, #tpu.memory_space<vmem>> -> memref<80xi32, #tpu.memory_space<vmem>>
      %dma_start3A_24 = arith.constant 0 : i32
      %dma_start3A_25 = arith.constant 0 : i32
      %dma_start3A_26 = tpu.memref_slice %arg2[%dma_start3A_24, %dma_start3A_25] : memref<20480x128xf32, #tpu.memory_space<hbm>> -> memref<20480x128xf32, #tpu.memory_space<hbm>>
      tpu.enqueue_indirect_dma source(%dma_start3A_26 : memref<20480x128xf32, #tpu.memory_space<hbm>>) target(%arg9 : memref<80x128xf32, #tpu.memory_space<vmem>>) offsets(%dma_start3A_23 : memref<80xi32, #tpu.memory_space<vmem>>) semaphore(%arg11 : memref<!tpu.dma_semaphore, #tpu.memory_space<semaphore_mem>>)
      %dma_wait3A = tpu.memref_slice %arg6[%mul3A_19] : memref<10000xi32, #tpu.memory_space<vmem>> -> memref<80xi32, #tpu.memory_space<vmem>>
      %dma_wait3A_27 = arith.constant 0 : i32
      %dma_wait3A_28 = arith.constant 0 : i32
      %dma_wait3A_29 = tpu.memref_slice %arg2[%dma_wait3A_27, %dma_wait3A_28] : memref<20480x128xf32, #tpu.memory_space<hbm>> -> memref<20480x128xf32, #tpu.memory_space<hbm>>
      tpu.wait_indirect_dma semaphore(%arg10 : memref<!tpu.dma_semaphore, #tpu.memory_space<semaphore_mem>>) src(%dma_wait3A_29 : memref<20480x128xf32, #tpu.memory_space<hbm>>) dst(%arg8 : memref<80x128xf32, #tpu.memory_space<vmem>>)
      %dma_wait3A_30 = tpu.memref_slice %arg7[%mul3A_19] : memref<10000xi32, #tpu.memory_space<vmem>> -> memref<80xi32, #tpu.memory_space<vmem>>
      %dma_wait3A_31 = arith.constant 0 : i32
      %dma_wait3A_32 = arith.constant 0 : i32
      %dma_wait3A_33 = tpu.memref_slice %arg2[%dma_wait3A_31, %dma_wait3A_32] : memref<20480x128xf32, #tpu.memory_space<hbm>> -> memref<20480x128xf32, #tpu.memory_space<hbm>>
      tpu.wait_indirect_dma semaphore(%arg11 : memref<!tpu.dma_semaphore, #tpu.memory_space<semaphore_mem>>) src(%dma_wait3A_33 : memref<20480x128xf32, #tpu.memory_space<hbm>>) dst(%arg9 : memref<80x128xf32, #tpu.memory_space<vmem>>)
      %scan3A_34 = arith.constant 0 : i32
      %scan3A_35 = arith.constant 0 : i32
      %scan3A_36 = arith.constant 80 : i32
      %scan3A_37 = arith.addi %scan3A_35, %scan3A_36 : i32
      %scan3A_38 = arith.constant 1 : i32
      %scan3A_39 = scf.for %scan3A_43 = %scan3A_35 to %scan3A_37 step %scan3A_38 iter_args(%scan3A_44 = %scan3A_34) -> (i32)  : i32 {
        %get3A = arith.index_cast %scan3A_43 : i32 to index
        %get3A_45 = arith.constant 0 : index
        %get3A_46 = tpu.vector_load %arg8[%get3A, %get3A_45] {strides = array<i32>} : memref<80x128xf32, #tpu.memory_space<vmem>>, vector<1x16xf32>,
        %get3A_47 = vector.shape_cast %get3A_46 : vector<1x16xf32> to vector<16xf32>
        %get3A_48 = arith.index_cast %scan3A_43 : i32 to index
        %get3A_49 = arith.constant 0 : index
        %get3A_50 = tpu.vector_load %arg9[%get3A_48, %get3A_49] {strides = array<i32>} : memref<80x128xf32, #tpu.memory_space<vmem>>, vector<1x16xf32>,
        %get3A_51 = vector.shape_cast %get3A_50 : vector<1x16xf32> to vector<16xf32>
        %add3A_52 = arith.addf %get3A_47, %get3A_51 : vector<16xf32>
        %max3A = arith.constant 0.000000e+00 : f32
        %max3A_53 = vector.broadcast %max3A : f32 to vector<16xf32>
        %max3A_54 = arith.maximumf %add3A_52, %max3A_53 : vector<16xf32>
        %swap3A = arith.index_cast %scan3A_43 : i32 to index
        %swap3A_55 = arith.constant 0 : index
        %swap3A_56 = tpu.vector_load %arg9[%swap3A, %swap3A_55] {strides = array<i32>} : memref<80x128xf32, #tpu.memory_space<vmem>>, vector<1x16xf32>,
        %swap3A_57 = vector.shape_cast %swap3A_56 : vector<1x16xf32> to vector<16xf32>
        %swap3A_58 = vector.shape_cast %max3A_54 : vector<16xf32> to vector<1x16xf32>
        tpu.vector_store %arg9[%swap3A, %swap3A_55], %swap3A_58 {strides = array<i32>} : memref<80x128xf32, #tpu.memory_space<vmem>>, vector<1x16xf32>,
        %get3A_59 = arith.index_cast %scan3A_43 : i32 to index
        %get3A_60 = arith.constant 16 : index
        %get3A_61 = tpu.vector_load %arg8[%get3A_59, %get3A_60] {strides = array<i32>} : memref<80x128xf32, #tpu.memory_space<vmem>>, vector<1x16xf32>,
        %get3A_62 = vector.shape_cast %get3A_61 : vector<1x16xf32> to vector<16xf32>
        %get3A_63 = arith.index_cast %scan3A_43 : i32 to index
        %get3A_64 = arith.constant 16 : index
        %get3A_65 = tpu.vector_load %arg9[%get3A_63, %get3A_64] {strides = array<i32>} : memref<80x128xf32, #tpu.memory_space<vmem>>, vector<1x16xf32>,
        %get3A_66 = vector.shape_cast %get3A_65 : vector<1x16xf32> to vector<16xf32>
        %add3A_67 = arith.addf %get3A_62, %get3A_66 : vector<16xf32>
        %max3A_68 = arith.constant 0.000000e+00 : f32
        %max3A_69 = vector.broadcast %max3A_68 : f32 to vector<16xf32>
        %max3A_70 = arith.maximumf %add3A_67, %max3A_69 : vector<16xf32>
        %swap3A_71 = arith.index_cast %scan3A_43 : i32 to index
        %swap3A_72 = arith.constant 16 : index
        %swap3A_73 = tpu.vector_load %arg9[%swap3A_71, %swap3A_72] {strides = array<i32>} : memref<80x128xf32, #tpu.memory_space<vmem>>, vector<1x16xf32>,
        %swap3A_74 = vector.shape_cast %swap3A_73 : vector<1x16xf32> to vector<16xf32>
        %swap3A_75 = vector.shape_cast %max3A_70 : vector<16xf32> to vector<1x16xf32>
        tpu.vector_store %arg9[%swap3A_71, %swap3A_72], %swap3A_75 {strides = array<i32>} : memref<80x128xf32, #tpu.memory_space<vmem>>, vector<1x16xf32>,
        %get3A_76 = arith.index_cast %scan3A_43 : i32 to index
        %get3A_77 = arith.constant 32 : index
        %get3A_78 = tpu.vector_load %arg8[%get3A_76, %get3A_77] {strides = array<i32>} : memref<80x128xf32, #tpu.memory_space<vmem>>, vector<1x16xf32>,
        %get3A_79 = vector.shape_cast %get3A_78 : vector<1x16xf32> to vector<16xf32>
        %get3A_80 = arith.index_cast %scan3A_43 : i32 to index
        %get3A_81 = arith.constant 32 : index
        %get3A_82 = tpu.vector_load %arg9[%get3A_80, %get3A_81] {strides = array<i32>} : memref<80x128xf32, #tpu.memory_space<vmem>>, vector<1x16xf32>,
        %get3A_83 = vector.shape_cast %get3A_82 : vector<1x16xf32> to vector<16xf32>
        %add3A_84 = arith.addf %get3A_79, %get3A_83 : vector<16xf32>
        %max3A_85 = arith.constant 0.000000e+00 : f32
        %max3A_86 = vector.broadcast %max3A_85 : f32 to vector<16xf32>
        %max3A_87 = arith.maximumf %add3A_84, %max3A_86 : vector<16xf32>
        %swap3A_88 = arith.index_cast %scan3A_43 : i32 to index
        %swap3A_89 = arith.constant 32 : index
        %swap3A_90 = tpu.vector_load %arg9[%swap3A_88, %swap3A_89] {strides = array<i32>} : memref<80x128xf32, #tpu.memory_space<vmem>>, vector<1x16xf32>,
        %swap3A_91 = vector.shape_cast %swap3A_90 : vector<1x16xf32> to vector<16xf32>
        %swap3A_92 = vector.shape_cast %max3A_87 : vector<16xf32> to vector<1x16xf32>
        tpu.vector_store %arg9[%swap3A_88, %swap3A_89], %swap3A_92 {strides = array<i32>} : memref<80x128xf32, #tpu.memory_space<vmem>>, vector<1x16xf32>,
        %get3A_93 = arith.index_cast %scan3A_43 : i32 to index
        %get3A_94 = arith.constant 48 : index
        %get3A_95 = tpu.vector_load %arg8[%get3A_93, %get3A_94] {strides = array<i32>} : memref<80x128xf32, #tpu.memory_space<vmem>>, vector<1x16xf32>,
        %get3A_96 = vector.shape_cast %get3A_95 : vector<1x16xf32> to vector<16xf32>
        %get3A_97 = arith.index_cast %scan3A_43 : i32 to index
        %get3A_98 = arith.constant 48 : index
        %get3A_99 = tpu.vector_load %arg9[%get3A_97, %get3A_98] {strides = array<i32>} : memref<80x128xf32, #tpu.memory_space<vmem>>, vector<1x16xf32>,
        %get3A_100 = vector.shape_cast %get3A_99 : vector<1x16xf32> to vector<16xf32>
        %add3A_101 = arith.addf %get3A_96, %get3A_100 : vector<16xf32>
        %max3A_102 = arith.constant 0.000000e+00 : f32
        %max3A_103 = vector.broadcast %max3A_102 : f32 to vector<16xf32>
        %max3A_104 = arith.maximumf %add3A_101, %max3A_103 : vector<16xf32>
        %swap3A_105 = arith.index_cast %scan3A_43 : i32 to index
        %swap3A_106 = arith.constant 48 : index
        %swap3A_107 = tpu.vector_load %arg9[%swap3A_105, %swap3A_106] {strides = array<i32>} : memref<80x128xf32, #tpu.memory_space<vmem>>, vector<1x16xf32>,
        %swap3A_108 = vector.shape_cast %swap3A_107 : vector<1x16xf32> to vector<16xf32>
        %swap3A_109 = vector.shape_cast %max3A_104 : vector<16xf32> to vector<1x16xf32>
        tpu.vector_store %arg9[%swap3A_105, %swap3A_106], %swap3A_109 {strides = array<i32>} : memref<80x128xf32, #tpu.memory_space<vmem>>, vector<1x16xf32>,
        %get3A_110 = arith.index_cast %scan3A_43 : i32 to index
        %get3A_111 = arith.constant 64 : index
        %get3A_112 = tpu.vector_load %arg8[%get3A_110, %get3A_111] {strides = array<i32>} : memref<80x128xf32, #tpu.memory_space<vmem>>, vector<1x16xf32>,
        %get3A_113 = vector.shape_cast %get3A_112 : vector<1x16xf32> to vector<16xf32>
        %get3A_114 = arith.index_cast %scan3A_43 : i32 to index
        %get3A_115 = arith.constant 64 : index
        %get3A_116 = tpu.vector_load %arg9[%get3A_114, %get3A_115] {strides = array<i32>} : memref<80x128xf32, #tpu.memory_space<vmem>>, vector<1x16xf32>,
        %get3A_117 = vector.shape_cast %get3A_116 : vector<1x16xf32> to vector<16xf32>
        %add3A_118 = arith.addf %get3A_113, %get3A_117 : vector<16xf32>
        %max3A_119 = arith.constant 0.000000e+00 : f32
        %max3A_120 = vector.broadcast %max3A_119 : f32 to vector<16xf32>
        %max3A_121 = arith.maximumf %add3A_118, %max3A_120 : vector<16xf32>
        %swap3A_122 = arith.index_cast %scan3A_43 : i32 to index
        %swap3A_123 = arith.constant 64 : index
        %swap3A_124 = tpu.vector_load %arg9[%swap3A_122, %swap3A_123] {strides = array<i32>} : memref<80x128xf32, #tpu.memory_space<vmem>>, vector<1x16xf32>,
        %swap3A_125 = vector.shape_cast %swap3A_124 : vector<1x16xf32> to vector<16xf32>
        %swap3A_126 = vector.shape_cast %max3A_121 : vector<16xf32> to vector<1x16xf32>
        tpu.vector_store %arg9[%swap3A_122, %swap3A_123], %swap3A_126 {strides = array<i32>} : memref<80x128xf32, #tpu.memory_space<vmem>>, vector<1x16xf32>,
        %get3A_127 = arith.index_cast %scan3A_43 : i32 to index
        %get3A_128 = arith.constant 80 : index
        %get3A_129 = tpu.vector_load %arg8[%get3A_127, %get3A_128] {strides = array<i32>} : memref<80x128xf32, #tpu.memory_space<vmem>>, vector<1x16xf32>,
        %get3A_130 = vector.shape_cast %get3A_129 : vector<1x16xf32> to vector<16xf32>
        %get3A_131 = arith.index_cast %scan3A_43 : i32 to index
        %get3A_132 = arith.constant 80 : index
        %get3A_133 = tpu.vector_load %arg9[%get3A_131, %get3A_132] {strides = array<i32>} : memref<80x128xf32, #tpu.memory_space<vmem>>, vector<1x16xf32>,
        %get3A_134 = vector.shape_cast %get3A_133 : vector<1x16xf32> to vector<16xf32>
        %add3A_135 = arith.addf %get3A_130, %get3A_134 : vector<16xf32>
        %max3A_136 = arith.constant 0.000000e+00 : f32
        %max3A_137 = vector.broadcast %max3A_136 : f32 to vector<16xf32>
        %max3A_138 = arith.maximumf %add3A_135, %max3A_137 : vector<16xf32>
        %swap3A_139 = arith.index_cast %scan3A_43 : i32 to index
        %swap3A_140 = arith.constant 80 : index
        %swap3A_141 = tpu.vector_load %arg9[%swap3A_139, %swap3A_140] {strides = array<i32>} : memref<80x128xf32, #tpu.memory_space<vmem>>, vector<1x16xf32>,
        %swap3A_142 = vector.shape_cast %swap3A_141 : vector<1x16xf32> to vector<16xf32>
        %swap3A_143 = vector.shape_cast %max3A_138 : vector<16xf32> to vector<1x16xf32>
        tpu.vector_store %arg9[%swap3A_139, %swap3A_140], %swap3A_143 {strides = array<i32>} : memref<80x128xf32, #tpu.memory_space<vmem>>, vector<1x16xf32>,
        %get3A_144 = arith.index_cast %scan3A_43 : i32 to index
        %get3A_145 = arith.constant 96 : index
        %get3A_146 = tpu.vector_load %arg8[%get3A_144, %get3A_145] {strides = array<i32>} : memref<80x128xf32, #tpu.memory_space<vmem>>, vector<1x16xf32>,
        %get3A_147 = vector.shape_cast %get3A_146 : vector<1x16xf32> to vector<16xf32>
        %get3A_148 = arith.index_cast %scan3A_43 : i32 to index
        %get3A_149 = arith.constant 96 : index
        %get3A_150 = tpu.vector_load %arg9[%get3A_148, %get3A_149] {strides = array<i32>} : memref<80x128xf32, #tpu.memory_space<vmem>>, vector<1x16xf32>,
        %get3A_151 = vector.shape_cast %get3A_150 : vector<1x16xf32> to vector<16xf32>
        %add3A_152 = arith.addf %get3A_147, %get3A_151 : vector<16xf32>
        %max3A_153 = arith.constant 0.000000e+00 : f32
        %max3A_154 = vector.broadcast %max3A_153 : f32 to vector<16xf32>
        %max3A_155 = arith.maximumf %add3A_152, %max3A_154 : vector<16xf32>
        %swap3A_156 = arith.index_cast %scan3A_43 : i32 to index
        %swap3A_157 = arith.constant 96 : index
        %swap3A_158 = tpu.vector_load %arg9[%swap3A_156, %swap3A_157] {strides = array<i32>} : memref<80x128xf32, #tpu.memory_space<vmem>>, vector<1x16xf32>,
        %swap3A_159 = vector.shape_cast %swap3A_158 : vector<1x16xf32> to vector<16xf32>
        %swap3A_160 = vector.shape_cast %max3A_155 : vector<16xf32> to vector<1x16xf32>
        tpu.vector_store %arg9[%swap3A_156, %swap3A_157], %swap3A_160 {strides = array<i32>} : memref<80x128xf32, #tpu.memory_space<vmem>>, vector<1x16xf32>,
        %get3A_161 = arith.index_cast %scan3A_43 : i32 to index
        %get3A_162 = arith.constant 112 : index
        %get3A_163 = tpu.vector_load %arg8[%get3A_161, %get3A_162] {strides = array<i32>} : memref<80x128xf32, #tpu.memory_space<vmem>>, vector<1x16xf32>,
        %get3A_164 = vector.shape_cast %get3A_163 : vector<1x16xf32> to vector<16xf32>
        %get3A_165 = arith.index_cast %scan3A_43 : i32 to index
        %get3A_166 = arith.constant 112 : index
        %get3A_167 = tpu.vector_load %arg9[%get3A_165, %get3A_166] {strides = array<i32>} : memref<80x128xf32, #tpu.memory_space<vmem>>, vector<1x16xf32>,
        %get3A_168 = vector.shape_cast %get3A_167 : vector<1x16xf32> to vector<16xf32>
        %add3A_169 = arith.addf %get3A_164, %get3A_168 : vector<16xf32>
        %max3A_170 = arith.constant 0.000000e+00 : f32
        %max3A_171 = vector.broadcast %max3A_170 : f32 to vector<16xf32>
        %max3A_172 = arith.maximumf %add3A_169, %max3A_171 : vector<16xf32>
        %swap3A_173 = arith.index_cast %scan3A_43 : i32 to index
        %swap3A_174 = arith.constant 112 : index
        %swap3A_175 = tpu.vector_load %arg9[%swap3A_173, %swap3A_174] {strides = array<i32>} : memref<80x128xf32, #tpu.memory_space<vmem>>, vector<1x16xf32>,
        %swap3A_176 = vector.shape_cast %swap3A_175 : vector<1x16xf32> to vector<16xf32>
        %swap3A_177 = vector.shape_cast %max3A_172 : vector<16xf32> to vector<1x16xf32>
        tpu.vector_store %arg9[%swap3A_173, %swap3A_174], %swap3A_177 {strides = array<i32>} : memref<80x128xf32, #tpu.memory_space<vmem>>, vector<1x16xf32>,
        %scan3A_178 = arith.constant 0 : i32
        scf.yield %scan3A_178 : i32
      }
      %scan3A_40 = arith.constant 80 : i32
      %add3A_41 = arith.addi %mul3A_2, %mul3A_19 : i32
      "tpu.region"() ({
        %run_scoped3A = tpu.sem_alloc : memref<!tpu.dma_semaphore, #tpu.memory_space<semaphore_mem>>
        %dma_start3A_43 = arith.constant 0 : i32
        %dma_start3A_44 = tpu.memref_slice %arg5[%add3A_41, %dma_start3A_43] : memref<320000x128xf32, #tpu.memory_space<hbm>> -> memref<80x128xf32, #tpu.memory_space<hbm>>
        %dma_start3A_45 = arith.constant 0 : i32
        %dma_start3A_46 = tpu.memref_slice %arg5[%add3A_41, %dma_start3A_45] : memref<320000x128xf32, #tpu.memory_space<hbm>> -> memref<80x128xf32, #tpu.memory_space<hbm>>
        tpu.enqueue_dma source(%arg9 : memref<80x128xf32, #tpu.memory_space<vmem>>) target(%dma_start3A_46 : memref<80x128xf32, #tpu.memory_space<hbm>>) target_semaphore(%run_scoped3A : memref<!tpu.dma_semaphore, #tpu.memory_space<semaphore_mem>>)
        %dma_wait3A_47 = arith.constant 0 : i32
        %dma_wait3A_48 = tpu.memref_slice %arg5[%add3A_41, %dma_wait3A_47] : memref<320000x128xf32, #tpu.memory_space<hbm>> -> memref<80x128xf32, #tpu.memory_space<hbm>>
        %dma_wait3A_49 = arith.constant 0 : i32
        %dma_wait3A_50 = tpu.memref_slice %arg5[%add3A_41, %dma_wait3A_49] : memref<320000x128xf32, #tpu.memory_space<hbm>> -> memref<80x128xf32, #tpu.memory_space<hbm>>
        tpu.wait_dma2 semaphore(%run_scoped3A : memref<!tpu.dma_semaphore, #tpu.memory_space<semaphore_mem>>) src(%arg9 : memref<80x128xf32, #tpu.memory_space<vmem>>) dst(%dma_wait3A_50 : memref<80x128xf32, #tpu.memory_space<hbm>>)
        tpu.yield
      }) : () -> ()
      %scan3A_42 = arith.constant 0 : i32
      scf.yield %scan3A_42 : i32
    }
    %scan3A_15 = arith.constant 125 : i32
    return
  }
}

#map = affine_map<(d0, d1) -> (0, 0)>
#map1 = affine_map<(d0, d1) -> (0)>
#map2 = affine_map<(d0, d1) -> (0, 0, 0)>
module attributes {stable_mosaic.version = 14 : i64} {
  func.func @_sc1_body(%arg0: i32, %arg1: i32, %arg2: memref<40000x128xf32, #tpu.memory_space<hbm>>, %arg3: memref<320000xi32, #tpu.memory_space<hbm>>, %arg4: memref<320000xi32, #tpu.memory_space<hbm>>, %arg5: memref<2x10240x128xf32, #tpu.memory_space<hbm>>, %arg6: memref<2000xi32, #tpu.memory_space<vmem>>, %arg7: memref<2000xi32, #tpu.memory_space<vmem>>, %arg8: memref<2000xi32, #tpu.memory_space<vmem>>, %arg9: memref<80xi32, #tpu.memory_space<vmem>>, %arg10: memref<80x128xf32, #tpu.memory_space<vmem>>, %arg11: memref<80x128xf32, #tpu.memory_space<vmem>>, %arg12: memref<64x128xf32, #tpu.memory_space<vmem>>, %arg13: memref<10240x128xf32, #tpu.memory_space<vmem_shared>>, %arg14: memref<!tpu.dma_semaphore, #tpu.memory_space<semaphore_mem>>, %arg15: memref<!tpu.dma_semaphore, #tpu.memory_space<semaphore_mem>>) attributes {dimension_semantics = [#tpu.dimension_semantics<core_parallel>, #tpu.dimension_semantics<subcore_parallel>], iteration_bounds = array<i64: 2, 16>, scalar_prefetch = 0 : i64, scratch_operands = 10 : i64, tpu.core_type = #tpu.core_type<sc_vector_subcore>, window_params = [{transform_indices = #map}, {transform_indices = #map1}, {transform_indices = #map1}, {transform_indices = #map2}]} {
    %mul3A = arith.constant 20000 : i32
    %mul3A_0 = arith.muli %arg1, %mul3A : i32
    %scan3A = arith.constant 0 : i32
    %scan3A_1 = arith.constant 0 : i32
    %scan3A_2 = arith.constant 64 : i32
    %scan3A_3 = arith.addi %scan3A_1, %scan3A_2 : i32
    %scan3A_4 = arith.constant 1 : i32
    %scan3A_5 = scf.for %scan3A_34 = %scan3A_1 to %scan3A_3 step %scan3A_4 iter_args(%scan3A_35 = %scan3A) -> (i32)  : i32 {
      %broadcast_in_dim3A = arith.constant 0.000000e+00 : f32
      %broadcast_in_dim3A_36 = vector.broadcast %broadcast_in_dim3A : f32 to vector<16xf32>
      %swap3A = arith.index_cast %scan3A_34 : i32 to index
      %swap3A_37 = arith.constant 0 : index
      %swap3A_38 = tpu.vector_load %arg12[%swap3A, %swap3A_37] {strides = array<i32>} : memref<64x128xf32, #tpu.memory_space<vmem>>, vector<1x16xf32>,
      %swap3A_39 = vector.shape_cast %swap3A_38 : vector<1x16xf32> to vector<16xf32>
      %swap3A_40 = vector.shape_cast %broadcast_in_dim3A_36 : vector<16xf32> to vector<1x16xf32>
      tpu.vector_store %arg12[%swap3A, %swap3A_37], %swap3A_40 {strides = array<i32>} : memref<64x128xf32, #tpu.memory_space<vmem>>, vector<1x16xf32>,
      %broadcast_in_dim3A_41 = arith.constant 0.000000e+00 : f32
      %broadcast_in_dim3A_42 = vector.broadcast %broadcast_in_dim3A_41 : f32 to vector<16xf32>
      %swap3A_43 = arith.index_cast %scan3A_34 : i32 to index
      %swap3A_44 = arith.constant 16 : index
      %swap3A_45 = tpu.vector_load %arg12[%swap3A_43, %swap3A_44] {strides = array<i32>} : memref<64x128xf32, #tpu.memory_space<vmem>>, vector<1x16xf32>,
      %swap3A_46 = vector.shape_cast %swap3A_45 : vector<1x16xf32> to vector<16xf32>
      %swap3A_47 = vector.shape_cast %broadcast_in_dim3A_42 : vector<16xf32> to vector<1x16xf32>
      tpu.vector_store %arg12[%swap3A_43, %swap3A_44], %swap3A_47 {strides = array<i32>} : memref<64x128xf32, #tpu.memory_space<vmem>>, vector<1x16xf32>,
      %broadcast_in_dim3A_48 = arith.constant 0.000000e+00 : f32
      %broadcast_in_dim3A_49 = vector.broadcast %broadcast_in_dim3A_48 : f32 to vector<16xf32>
      %swap3A_50 = arith.index_cast %scan3A_34 : i32 to index
      %swap3A_51 = arith.constant 32 : index
      %swap3A_52 = tpu.vector_load %arg12[%swap3A_50, %swap3A_51] {strides = array<i32>} : memref<64x128xf32, #tpu.memory_space<vmem>>, vector<1x16xf32>,
      %swap3A_53 = vector.shape_cast %swap3A_52 : vector<1x16xf32> to vector<16xf32>
      %swap3A_54 = vector.shape_cast %broadcast_in_dim3A_49 : vector<16xf32> to vector<1x16xf32>
      tpu.vector_store %arg12[%swap3A_50, %swap3A_51], %swap3A_54 {strides = array<i32>} : memref<64x128xf32, #tpu.memory_space<vmem>>, vector<1x16xf32>,
      %broadcast_in_dim3A_55 = arith.constant 0.000000e+00 : f32
      %broadcast_in_dim3A_56 = vector.broadcast %broadcast_in_dim3A_55 : f32 to vector<16xf32>
      %swap3A_57 = arith.index_cast %scan3A_34 : i32 to index
      %swap3A_58 = arith.constant 48 : index
      %swap3A_59 = tpu.vector_load %arg12[%swap3A_57, %swap3A_58] {strides = array<i32>} : memref<64x128xf32, #tpu.memory_space<vmem>>, vector<1x16xf32>,
      %swap3A_60 = vector.shape_cast %swap3A_59 : vector<1x16xf32> to vector<16xf32>
      %swap3A_61 = vector.shape_cast %broadcast_in_dim3A_56 : vector<16xf32> to vector<1x16xf32>
      tpu.vector_store %arg12[%swap3A_57, %swap3A_58], %swap3A_61 {strides = array<i32>} : memref<64x128xf32, #tpu.memory_space<vmem>>, vector<1x16xf32>,
      %broadcast_in_dim3A_62 = arith.constant 0.000000e+00 : f32
      %broadcast_in_dim3A_63 = vector.broadcast %broadcast_in_dim3A_62 : f32 to vector<16xf32>
      %swap3A_64 = arith.index_cast %scan3A_34 : i32 to index
      %swap3A_65 = arith.constant 64 : index
      %swap3A_66 = tpu.vector_load %arg12[%swap3A_64, %swap3A_65] {strides = array<i32>} : memref<64x128xf32, #tpu.memory_space<vmem>>, vector<1x16xf32>,
      %swap3A_67 = vector.shape_cast %swap3A_66 : vector<1x16xf32> to vector<16xf32>
      %swap3A_68 = vector.shape_cast %broadcast_in_dim3A_63 : vector<16xf32> to vector<1x16xf32>
      tpu.vector_store %arg12[%swap3A_64, %swap3A_65], %swap3A_68 {strides = array<i32>} : memref<64x128xf32, #tpu.memory_space<vmem>>, vector<1x16xf32>,
      %broadcast_in_dim3A_69 = arith.constant 0.000000e+00 : f32
      %broadcast_in_dim3A_70 = vector.broadcast %broadcast_in_dim3A_69 : f32 to vector<16xf32>
      %swap3A_71 = arith.index_cast %scan3A_34 : i32 to index
      %swap3A_72 = arith.constant 80 : index
      %swap3A_73 = tpu.vector_load %arg12[%swap3A_71, %swap3A_72] {strides = array<i32>} : memref<64x128xf32, #tpu.memory_space<vmem>>, vector<1x16xf32>,
      %swap3A_74 = vector.shape_cast %swap3A_73 : vector<1x16xf32> to vector<16xf32>
      %swap3A_75 = vector.shape_cast %broadcast_in_dim3A_70 : vector<16xf32> to vector<1x16xf32>
      tpu.vector_store %arg12[%swap3A_71, %swap3A_72], %swap3A_75 {strides = array<i32>} : memref<64x128xf32, #tpu.memory_space<vmem>>, vector<1x16xf32>,
      %broadcast_in_dim3A_76 = arith.constant 0.000000e+00 : f32
      %broadcast_in_dim3A_77 = vector.broadcast %broadcast_in_dim3A_76 : f32 to vector<16xf32>
      %swap3A_78 = arith.index_cast %scan3A_34 : i32 to index
      %swap3A_79 = arith.constant 96 : index
      %swap3A_80 = tpu.vector_load %arg12[%swap3A_78, %swap3A_79] {strides = array<i32>} : memref<64x128xf32, #tpu.memory_space<vmem>>, vector<1x16xf32>,
      %swap3A_81 = vector.shape_cast %swap3A_80 : vector<1x16xf32> to vector<16xf32>
      %swap3A_82 = vector.shape_cast %broadcast_in_dim3A_77 : vector<16xf32> to vector<1x16xf32>
      tpu.vector_store %arg12[%swap3A_78, %swap3A_79], %swap3A_82 {strides = array<i32>} : memref<64x128xf32, #tpu.memory_space<vmem>>, vector<1x16xf32>,
      %broadcast_in_dim3A_83 = arith.constant 0.000000e+00 : f32
      %broadcast_in_dim3A_84 = vector.broadcast %broadcast_in_dim3A_83 : f32 to vector<16xf32>
      %swap3A_85 = arith.index_cast %scan3A_34 : i32 to index
      %swap3A_86 = arith.constant 112 : index
      %swap3A_87 = tpu.vector_load %arg12[%swap3A_85, %swap3A_86] {strides = array<i32>} : memref<64x128xf32, #tpu.memory_space<vmem>>, vector<1x16xf32>,
      %swap3A_88 = vector.shape_cast %swap3A_87 : vector<1x16xf32> to vector<16xf32>
      %swap3A_89 = vector.shape_cast %broadcast_in_dim3A_84 : vector<16xf32> to vector<1x16xf32>
      tpu.vector_store %arg12[%swap3A_85, %swap3A_86], %swap3A_89 {strides = array<i32>} : memref<64x128xf32, #tpu.memory_space<vmem>>, vector<1x16xf32>,
      %scan3A_90 = arith.constant 0 : i32
      scf.yield %scan3A_90 : i32
    }
    %scan3A_6 = arith.constant 64 : i32
    %scan3A_7 = arith.constant 0 : i32
    %scan3A_8 = arith.constant 0 : i32
    %scan3A_9 = arith.constant 10 : i32
    %scan3A_10 = arith.addi %scan3A_8, %scan3A_9 : i32
    %scan3A_11 = arith.constant 1 : i32
    %scan3A_12 = scf.for %scan3A_34 = %scan3A_8 to %scan3A_10 step %scan3A_11 iter_args(%scan3A_35 = %scan3A_7) -> (i32)  : i32 {
      %mul3A_36 = arith.constant 640 : i32
      %mul3A_37 = arith.muli %arg1, %mul3A_36 : i32
      %mul3A_38 = arith.constant 64 : i32
      %mul3A_39 = arith.muli %scan3A_34, %mul3A_38 : i32
      %add3A_40 = arith.addi %mul3A_37, %mul3A_39 : i32
      "tpu.region"() ({
        %run_scoped3A = tpu.sem_alloc : memref<!tpu.dma_semaphore, #tpu.memory_space<semaphore_mem>>
        %dma_start3A = arith.constant 0 : i32
        %dma_start3A_42 = tpu.memref_slice %arg13[%add3A_40, %dma_start3A] : memref<10240x128xf32, #tpu.memory_space<vmem_shared>> -> memref<64x128xf32, #tpu.memory_space<vmem_shared>>
        %dma_start3A_43 = arith.constant 0 : i32
        %dma_start3A_44 = tpu.memref_slice %arg13[%add3A_40, %dma_start3A_43] : memref<10240x128xf32, #tpu.memory_space<vmem_shared>> -> memref<64x128xf32, #tpu.memory_space<vmem_shared>>
        tpu.enqueue_dma source(%arg12 : memref<64x128xf32, #tpu.memory_space<vmem>>) target(%dma_start3A_44 : memref<64x128xf32, #tpu.memory_space<vmem_shared>>) target_semaphore(%run_scoped3A : memref<!tpu.dma_semaphore, #tpu.memory_space<semaphore_mem>>)
        %dma_wait3A = arith.constant 0 : i32
        %dma_wait3A_45 = tpu.memref_slice %arg13[%add3A_40, %dma_wait3A] : memref<10240x128xf32, #tpu.memory_space<vmem_shared>> -> memref<64x128xf32, #tpu.memory_space<vmem_shared>>
        %dma_wait3A_46 = arith.constant 0 : i32
        %dma_wait3A_47 = tpu.memref_slice %arg13[%add3A_40, %dma_wait3A_46] : memref<10240x128xf32, #tpu.memory_space<vmem_shared>> -> memref<64x128xf32, #tpu.memory_space<vmem_shared>>
        tpu.wait_dma2 semaphore(%run_scoped3A : memref<!tpu.dma_semaphore, #tpu.memory_space<semaphore_mem>>) src(%arg12 : memref<64x128xf32, #tpu.memory_space<vmem>>) dst(%dma_wait3A_47 : memref<64x128xf32, #tpu.memory_space<vmem_shared>>)
        tpu.yield
      }) : () -> ()
      %scan3A_41 = arith.constant 0 : i32
      scf.yield %scan3A_41 : i32
    }
    %scan3A_13 = arith.constant 10 : i32
    %barrier3A = arith.constant 0 : index
    tpu.barrier barrier_id(%barrier3A)
    %mul3A_14 = arith.constant 10000 : i32
    %mul3A_15 = arith.muli %arg0, %mul3A_14 : i32
    %add3A = arith.constant 2 : i32
    %add3A_16 = arith.addi %add3A, %arg0 : i32
    %mul3A_17 = arith.constant 10000 : i32
    %mul3A_18 = arith.muli %add3A_16, %mul3A_17 : i32
    %scan3A_19 = arith.constant 0 : i32
    %scan3A_20 = arith.constant 0 : i32
    %scan3A_21 = arith.constant 10 : i32
    %scan3A_22 = arith.addi %scan3A_20, %scan3A_21 : i32
    %scan3A_23 = arith.constant 1 : i32
    %scan3A_24 = scf.for %scan3A_34 = %scan3A_20 to %scan3A_22 step %scan3A_23 iter_args(%scan3A_35 = %scan3A_19) -> (i32)  : i32 {
      %mul3A_36 = arith.constant 2000 : i32
      %mul3A_37 = arith.muli %scan3A_34, %mul3A_36 : i32
      %add3A_38 = arith.addi %mul3A_0, %mul3A_37 : i32
      "tpu.region"() ({
        %run_scoped3A = tpu.sem_alloc : memref<!tpu.dma_semaphore, #tpu.memory_space<semaphore_mem>>
        %dma_start3A = tpu.memref_slice %arg3[%add3A_38] : memref<320000xi32, #tpu.memory_space<hbm>> -> memref<2000xi32, #tpu.memory_space<hbm>>
        %dma_start3A_54 = tpu.memref_slice %arg3[%add3A_38] : memref<320000xi32, #tpu.memory_space<hbm>> -> memref<2000xi32, #tpu.memory_space<hbm>>
        tpu.enqueue_dma source(%dma_start3A_54 : memref<2000xi32, #tpu.memory_space<hbm>>) target(%arg6 : memref<2000xi32, #tpu.memory_space<vmem>>) target_semaphore(%run_scoped3A : memref<!tpu.dma_semaphore, #tpu.memory_space<semaphore_mem>>)
        %dma_wait3A = tpu.memref_slice %arg3[%add3A_38] : memref<320000xi32, #tpu.memory_space<hbm>> -> memref<2000xi32, #tpu.memory_space<hbm>>
        %dma_wait3A_55 = tpu.memref_slice %arg3[%add3A_38] : memref<320000xi32, #tpu.memory_space<hbm>> -> memref<2000xi32, #tpu.memory_space<hbm>>
        tpu.wait_dma2 semaphore(%run_scoped3A : memref<!tpu.dma_semaphore, #tpu.memory_space<semaphore_mem>>) src(%dma_wait3A_55 : memref<2000xi32, #tpu.memory_space<hbm>>) dst(%arg6 : memref<2000xi32, #tpu.memory_space<vmem>>)
        tpu.yield
      }) : () -> ()
      "tpu.region"() ({
        %run_scoped3A = tpu.sem_alloc : memref<!tpu.dma_semaphore, #tpu.memory_space<semaphore_mem>>
        %dma_start3A = tpu.memref_slice %arg4[%add3A_38] : memref<320000xi32, #tpu.memory_space<hbm>> -> memref<2000xi32, #tpu.memory_space<hbm>>
        %dma_start3A_54 = tpu.memref_slice %arg4[%add3A_38] : memref<320000xi32, #tpu.memory_space<hbm>> -> memref<2000xi32, #tpu.memory_space<hbm>>
        tpu.enqueue_dma source(%dma_start3A_54 : memref<2000xi32, #tpu.memory_space<hbm>>) target(%arg7 : memref<2000xi32, #tpu.memory_space<vmem>>) target_semaphore(%run_scoped3A : memref<!tpu.dma_semaphore, #tpu.memory_space<semaphore_mem>>)
        %dma_wait3A = tpu.memref_slice %arg4[%add3A_38] : memref<320000xi32, #tpu.memory_space<hbm>> -> memref<2000xi32, #tpu.memory_space<hbm>>
        %dma_wait3A_55 = tpu.memref_slice %arg4[%add3A_38] : memref<320000xi32, #tpu.memory_space<hbm>> -> memref<2000xi32, #tpu.memory_space<hbm>>
        tpu.wait_dma2 semaphore(%run_scoped3A : memref<!tpu.dma_semaphore, #tpu.memory_space<semaphore_mem>>) src(%dma_wait3A_55 : memref<2000xi32, #tpu.memory_space<hbm>>) dst(%arg7 : memref<2000xi32, #tpu.memory_space<vmem>>)
        tpu.yield
      }) : () -> ()
      %scan3A_39 = arith.constant 0 : i32
      %scan3A_40 = arith.constant 0 : i32
      %scan3A_41 = arith.constant 125 : i32
      %scan3A_42 = arith.addi %scan3A_40, %scan3A_41 : i32
      %scan3A_43 = arith.constant 1 : i32
      %scan3A_44 = scf.for %scan3A_54 = %scan3A_40 to %scan3A_42 step %scan3A_43 iter_args(%scan3A_55 = %scan3A_39) -> (i32)  : i32 {
        %mul3A_56 = arith.constant 16 : i32
        %mul3A_57 = arith.muli %scan3A_54, %mul3A_56 : i32
        %get3A = arith.index_cast %mul3A_57 : i32 to index
        %get3A_58 = tpu.vector_load %arg6[%get3A] {strides = array<i32>} : memref<2000xi32, #tpu.memory_space<vmem>>, vector<16xi32>,
        %get3A_59 = vector.shape_cast %get3A_58 : vector<16xi32> to vector<16xi32>
        %add3A_60 = vector.broadcast %mul3A_15 : i32 to vector<16xi32>
        %add3A_61 = arith.addi %get3A_59, %add3A_60 : vector<16xi32>
        %swap3A = arith.index_cast %mul3A_57 : i32 to index
        %swap3A_62 = tpu.vector_load %arg6[%swap3A] {strides = array<i32>} : memref<2000xi32, #tpu.memory_space<vmem>>, vector<16xi32>,
        %swap3A_63 = vector.shape_cast %swap3A_62 : vector<16xi32> to vector<16xi32>
        %swap3A_64 = vector.shape_cast %add3A_61 : vector<16xi32> to vector<16xi32>
        tpu.vector_store %arg6[%swap3A], %swap3A_64 {strides = array<i32>} : memref<2000xi32, #tpu.memory_space<vmem>>, vector<16xi32>,
        %get3A_65 = arith.index_cast %mul3A_57 : i32 to index
        %get3A_66 = tpu.vector_load %arg7[%get3A_65] {strides = array<i32>} : memref<2000xi32, #tpu.memory_space<vmem>>, vector<16xi32>,
        %get3A_67 = vector.shape_cast %get3A_66 : vector<16xi32> to vector<16xi32>
        %add3A_68 = vector.broadcast %mul3A_18 : i32 to vector<16xi32>
        %add3A_69 = arith.addi %get3A_67, %add3A_68 : vector<16xi32>
        %swap3A_70 = arith.index_cast %mul3A_57 : i32 to index
        %swap3A_71 = tpu.vector_load %arg8[%swap3A_70] {strides = array<i32>} : memref<2000xi32, #tpu.memory_space<vmem>>, vector<16xi32>,
        %swap3A_72 = vector.shape_cast %swap3A_71 : vector<16xi32> to vector<16xi32>
        %swap3A_73 = vector.shape_cast %add3A_69 : vector<16xi32> to vector<16xi32>
        tpu.vector_store %arg8[%swap3A_70], %swap3A_73 {strides = array<i32>} : memref<2000xi32, #tpu.memory_space<vmem>>, vector<16xi32>,
        %scan3A_74 = arith.constant 0 : i32
        scf.yield %scan3A_74 : i32
      }
      %scan3A_45 = arith.constant 125 : i32
      %scan3A_46 = arith.constant 0 : i32
      %scan3A_47 = arith.constant 0 : i32
      %scan3A_48 = arith.constant 25 : i32
      %scan3A_49 = arith.addi %scan3A_47, %scan3A_48 : i32
      %scan3A_50 = arith.constant 1 : i32
      %scan3A_51 = scf.for %scan3A_54 = %scan3A_47 to %scan3A_49 step %scan3A_50 iter_args(%scan3A_55 = %scan3A_46) -> (i32)  : i32 {
        %mul3A_56 = arith.constant 80 : i32
        %mul3A_57 = arith.muli %scan3A_54, %mul3A_56 : i32
        %add3A_58 = arith.constant 0 : i32
        %add3A_59 = arith.addi %mul3A_57, %add3A_58 : i32
        %get3A = arith.index_cast %add3A_59 : i32 to index
        %get3A_60 = tpu.vector_load %arg7[%get3A] {strides = array<i32>} : memref<2000xi32, #tpu.memory_space<vmem>>, vector<16xi32>,
        %get3A_61 = vector.shape_cast %get3A_60 : vector<16xi32> to vector<16xi32>
        %swap3A = arith.constant 0 : index
        %swap3A_62 = tpu.vector_load %arg9[%swap3A] {strides = array<i32>} : memref<80xi32, #tpu.memory_space<vmem>>, vector<16xi32>,
        %swap3A_63 = vector.shape_cast %swap3A_62 : vector<16xi32> to vector<16xi32>
        %swap3A_64 = vector.shape_cast %get3A_61 : vector<16xi32> to vector<16xi32>
        tpu.vector_store %arg9[%swap3A], %swap3A_64 {strides = array<i32>} : memref<80xi32, #tpu.memory_space<vmem>>, vector<16xi32>,
        %add3A_65 = arith.constant 16 : i32
        %add3A_66 = arith.addi %mul3A_57, %add3A_65 : i32
        %get3A_67 = arith.index_cast %add3A_66 : i32 to index
        %get3A_68 = tpu.vector_load %arg7[%get3A_67] {strides = array<i32>} : memref<2000xi32, #tpu.memory_space<vmem>>, vector<16xi32>,
        %get3A_69 = vector.shape_cast %get3A_68 : vector<16xi32> to vector<16xi32>
        %swap3A_70 = arith.constant 16 : index
        %swap3A_71 = tpu.vector_load %arg9[%swap3A_70] {strides = array<i32>} : memref<80xi32, #tpu.memory_space<vmem>>, vector<16xi32>,
        %swap3A_72 = vector.shape_cast %swap3A_71 : vector<16xi32> to vector<16xi32>
        %swap3A_73 = vector.shape_cast %get3A_69 : vector<16xi32> to vector<16xi32>
        tpu.vector_store %arg9[%swap3A_70], %swap3A_73 {strides = array<i32>} : memref<80xi32, #tpu.memory_space<vmem>>, vector<16xi32>,
        %add3A_74 = arith.constant 32 : i32
        %add3A_75 = arith.addi %mul3A_57, %add3A_74 : i32
        %get3A_76 = arith.index_cast %add3A_75 : i32 to index
        %get3A_77 = tpu.vector_load %arg7[%get3A_76] {strides = array<i32>} : memref<2000xi32, #tpu.memory_space<vmem>>, vector<16xi32>,
        %get3A_78 = vector.shape_cast %get3A_77 : vector<16xi32> to vector<16xi32>
        %swap3A_79 = arith.constant 32 : index
        %swap3A_80 = tpu.vector_load %arg9[%swap3A_79] {strides = array<i32>} : memref<80xi32, #tpu.memory_space<vmem>>, vector<16xi32>,
        %swap3A_81 = vector.shape_cast %swap3A_80 : vector<16xi32> to vector<16xi32>
        %swap3A_82 = vector.shape_cast %get3A_78 : vector<16xi32> to vector<16xi32>
        tpu.vector_store %arg9[%swap3A_79], %swap3A_82 {strides = array<i32>} : memref<80xi32, #tpu.memory_space<vmem>>, vector<16xi32>,
        %add3A_83 = arith.constant 48 : i32
        %add3A_84 = arith.addi %mul3A_57, %add3A_83 : i32
        %get3A_85 = arith.index_cast %add3A_84 : i32 to index
        %get3A_86 = tpu.vector_load %arg7[%get3A_85] {strides = array<i32>} : memref<2000xi32, #tpu.memory_space<vmem>>, vector<16xi32>,
        %get3A_87 = vector.shape_cast %get3A_86 : vector<16xi32> to vector<16xi32>
        %swap3A_88 = arith.constant 48 : index
        %swap3A_89 = tpu.vector_load %arg9[%swap3A_88] {strides = array<i32>} : memref<80xi32, #tpu.memory_space<vmem>>, vector<16xi32>,
        %swap3A_90 = vector.shape_cast %swap3A_89 : vector<16xi32> to vector<16xi32>
        %swap3A_91 = vector.shape_cast %get3A_87 : vector<16xi32> to vector<16xi32>
        tpu.vector_store %arg9[%swap3A_88], %swap3A_91 {strides = array<i32>} : memref<80xi32, #tpu.memory_space<vmem>>, vector<16xi32>,
        %add3A_92 = arith.constant 64 : i32
        %add3A_93 = arith.addi %mul3A_57, %add3A_92 : i32
        %get3A_94 = arith.index_cast %add3A_93 : i32 to index
        %get3A_95 = tpu.vector_load %arg7[%get3A_94] {strides = array<i32>} : memref<2000xi32, #tpu.memory_space<vmem>>, vector<16xi32>,
        %get3A_96 = vector.shape_cast %get3A_95 : vector<16xi32> to vector<16xi32>
        %swap3A_97 = arith.constant 64 : index
        %swap3A_98 = tpu.vector_load %arg9[%swap3A_97] {strides = array<i32>} : memref<80xi32, #tpu.memory_space<vmem>>, vector<16xi32>,
        %swap3A_99 = vector.shape_cast %swap3A_98 : vector<16xi32> to vector<16xi32>
        %swap3A_100 = vector.shape_cast %get3A_96 : vector<16xi32> to vector<16xi32>
        tpu.vector_store %arg9[%swap3A_97], %swap3A_100 {strides = array<i32>} : memref<80xi32, #tpu.memory_space<vmem>>, vector<16xi32>,
        %dma_start3A = tpu.memref_slice %arg6[%mul3A_57] : memref<2000xi32, #tpu.memory_space<vmem>> -> memref<80xi32, #tpu.memory_space<vmem>>
        %dma_start3A_101 = arith.constant 0 : i32
        %dma_start3A_102 = arith.constant 0 : i32
        %dma_start3A_103 = tpu.memref_slice %arg2[%dma_start3A_101, %dma_start3A_102] : memref<40000x128xf32, #tpu.memory_space<hbm>> -> memref<40000x128xf32, #tpu.memory_space<hbm>>
        tpu.enqueue_indirect_dma source(%dma_start3A_103 : memref<40000x128xf32, #tpu.memory_space<hbm>>) target(%arg10 : memref<80x128xf32, #tpu.memory_space<vmem>>) offsets(%dma_start3A : memref<80xi32, #tpu.memory_space<vmem>>) semaphore(%arg14 : memref<!tpu.dma_semaphore, #tpu.memory_space<semaphore_mem>>)
        %dma_start3A_104 = tpu.memref_slice %arg8[%mul3A_57] : memref<2000xi32, #tpu.memory_space<vmem>> -> memref<80xi32, #tpu.memory_space<vmem>>
        %dma_start3A_105 = arith.constant 0 : i32
        %dma_start3A_106 = arith.constant 0 : i32
        %dma_start3A_107 = tpu.memref_slice %arg2[%dma_start3A_105, %dma_start3A_106] : memref<40000x128xf32, #tpu.memory_space<hbm>> -> memref<40000x128xf32, #tpu.memory_space<hbm>>
        tpu.enqueue_indirect_dma source(%dma_start3A_107 : memref<40000x128xf32, #tpu.memory_space<hbm>>) target(%arg11 : memref<80x128xf32, #tpu.memory_space<vmem>>) offsets(%dma_start3A_104 : memref<80xi32, #tpu.memory_space<vmem>>) semaphore(%arg15 : memref<!tpu.dma_semaphore, #tpu.memory_space<semaphore_mem>>)
        %dma_wait3A = tpu.memref_slice %arg6[%mul3A_57] : memref<2000xi32, #tpu.memory_space<vmem>> -> memref<80xi32, #tpu.memory_space<vmem>>
        %dma_wait3A_108 = arith.constant 0 : i32
        %dma_wait3A_109 = arith.constant 0 : i32
        %dma_wait3A_110 = tpu.memref_slice %arg2[%dma_wait3A_108, %dma_wait3A_109] : memref<40000x128xf32, #tpu.memory_space<hbm>> -> memref<40000x128xf32, #tpu.memory_space<hbm>>
        tpu.wait_indirect_dma semaphore(%arg14 : memref<!tpu.dma_semaphore, #tpu.memory_space<semaphore_mem>>) src(%dma_wait3A_110 : memref<40000x128xf32, #tpu.memory_space<hbm>>) dst(%arg10 : memref<80x128xf32, #tpu.memory_space<vmem>>)
        %dma_wait3A_111 = tpu.memref_slice %arg8[%mul3A_57] : memref<2000xi32, #tpu.memory_space<vmem>> -> memref<80xi32, #tpu.memory_space<vmem>>
        %dma_wait3A_112 = arith.constant 0 : i32
        %dma_wait3A_113 = arith.constant 0 : i32
        %dma_wait3A_114 = tpu.memref_slice %arg2[%dma_wait3A_112, %dma_wait3A_113] : memref<40000x128xf32, #tpu.memory_space<hbm>> -> memref<40000x128xf32, #tpu.memory_space<hbm>>
        tpu.wait_indirect_dma semaphore(%arg15 : memref<!tpu.dma_semaphore, #tpu.memory_space<semaphore_mem>>) src(%dma_wait3A_114 : memref<40000x128xf32, #tpu.memory_space<hbm>>) dst(%arg11 : memref<80x128xf32, #tpu.memory_space<vmem>>)
        %scan3A_115 = arith.constant 0 : i32
        %scan3A_116 = arith.constant 0 : i32
        %scan3A_117 = arith.constant 80 : i32
        %scan3A_118 = arith.addi %scan3A_116, %scan3A_117 : i32
        %scan3A_119 = arith.constant 1 : i32
        %scan3A_120 = scf.for %scan3A_123 = %scan3A_116 to %scan3A_118 step %scan3A_119 iter_args(%scan3A_124 = %scan3A_115) -> (i32)  : i32 {
          %get3A_125 = arith.index_cast %scan3A_123 : i32 to index
          %get3A_126 = arith.constant 0 : index
          %get3A_127 = tpu.vector_load %arg10[%get3A_125, %get3A_126] {strides = array<i32>} : memref<80x128xf32, #tpu.memory_space<vmem>>, vector<1x16xf32>,
          %get3A_128 = vector.shape_cast %get3A_127 : vector<1x16xf32> to vector<16xf32>
          %get3A_129 = arith.index_cast %scan3A_123 : i32 to index
          %get3A_130 = arith.constant 0 : index
          %get3A_131 = tpu.vector_load %arg11[%get3A_129, %get3A_130] {strides = array<i32>} : memref<80x128xf32, #tpu.memory_space<vmem>>, vector<1x16xf32>,
          %get3A_132 = vector.shape_cast %get3A_131 : vector<1x16xf32> to vector<16xf32>
          %add3A_133 = arith.addf %get3A_128, %get3A_132 : vector<16xf32>
          %max3A = arith.constant 0.000000e+00 : f32
          %max3A_134 = vector.broadcast %max3A : f32 to vector<16xf32>
          %max3A_135 = arith.maximumf %add3A_133, %max3A_134 : vector<16xf32>
          %swap3A_136 = arith.index_cast %scan3A_123 : i32 to index
          %swap3A_137 = arith.constant 0 : index
          %swap3A_138 = tpu.vector_load %arg11[%swap3A_136, %swap3A_137] {strides = array<i32>} : memref<80x128xf32, #tpu.memory_space<vmem>>, vector<1x16xf32>,
          %swap3A_139 = vector.shape_cast %swap3A_138 : vector<1x16xf32> to vector<16xf32>
          %swap3A_140 = vector.shape_cast %max3A_135 : vector<16xf32> to vector<1x16xf32>
          tpu.vector_store %arg11[%swap3A_136, %swap3A_137], %swap3A_140 {strides = array<i32>} : memref<80x128xf32, #tpu.memory_space<vmem>>, vector<1x16xf32>,
          %get3A_141 = arith.index_cast %scan3A_123 : i32 to index
          %get3A_142 = arith.constant 16 : index
          %get3A_143 = tpu.vector_load %arg10[%get3A_141, %get3A_142] {strides = array<i32>} : memref<80x128xf32, #tpu.memory_space<vmem>>, vector<1x16xf32>,
          %get3A_144 = vector.shape_cast %get3A_143 : vector<1x16xf32> to vector<16xf32>
          %get3A_145 = arith.index_cast %scan3A_123 : i32 to index
          %get3A_146 = arith.constant 16 : index
          %get3A_147 = tpu.vector_load %arg11[%get3A_145, %get3A_146] {strides = array<i32>} : memref<80x128xf32, #tpu.memory_space<vmem>>, vector<1x16xf32>,
          %get3A_148 = vector.shape_cast %get3A_147 : vector<1x16xf32> to vector<16xf32>
          %add3A_149 = arith.addf %get3A_144, %get3A_148 : vector<16xf32>
          %max3A_150 = arith.constant 0.000000e+00 : f32
          %max3A_151 = vector.broadcast %max3A_150 : f32 to vector<16xf32>
          %max3A_152 = arith.maximumf %add3A_149, %max3A_151 : vector<16xf32>
          %swap3A_153 = arith.index_cast %scan3A_123 : i32 to index
          %swap3A_154 = arith.constant 16 : index
          %swap3A_155 = tpu.vector_load %arg11[%swap3A_153, %swap3A_154] {strides = array<i32>} : memref<80x128xf32, #tpu.memory_space<vmem>>, vector<1x16xf32>,
          %swap3A_156 = vector.shape_cast %swap3A_155 : vector<1x16xf32> to vector<16xf32>
          %swap3A_157 = vector.shape_cast %max3A_152 : vector<16xf32> to vector<1x16xf32>
          tpu.vector_store %arg11[%swap3A_153, %swap3A_154], %swap3A_157 {strides = array<i32>} : memref<80x128xf32, #tpu.memory_space<vmem>>, vector<1x16xf32>,
          %get3A_158 = arith.index_cast %scan3A_123 : i32 to index
          %get3A_159 = arith.constant 32 : index
          %get3A_160 = tpu.vector_load %arg10[%get3A_158, %get3A_159] {strides = array<i32>} : memref<80x128xf32, #tpu.memory_space<vmem>>, vector<1x16xf32>,
          %get3A_161 = vector.shape_cast %get3A_160 : vector<1x16xf32> to vector<16xf32>
          %get3A_162 = arith.index_cast %scan3A_123 : i32 to index
          %get3A_163 = arith.constant 32 : index
          %get3A_164 = tpu.vector_load %arg11[%get3A_162, %get3A_163] {strides = array<i32>} : memref<80x128xf32, #tpu.memory_space<vmem>>, vector<1x16xf32>,
          %get3A_165 = vector.shape_cast %get3A_164 : vector<1x16xf32> to vector<16xf32>
          %add3A_166 = arith.addf %get3A_161, %get3A_165 : vector<16xf32>
          %max3A_167 = arith.constant 0.000000e+00 : f32
          %max3A_168 = vector.broadcast %max3A_167 : f32 to vector<16xf32>
          %max3A_169 = arith.maximumf %add3A_166, %max3A_168 : vector<16xf32>
          %swap3A_170 = arith.index_cast %scan3A_123 : i32 to index
          %swap3A_171 = arith.constant 32 : index
          %swap3A_172 = tpu.vector_load %arg11[%swap3A_170, %swap3A_171] {strides = array<i32>} : memref<80x128xf32, #tpu.memory_space<vmem>>, vector<1x16xf32>,
          %swap3A_173 = vector.shape_cast %swap3A_172 : vector<1x16xf32> to vector<16xf32>
          %swap3A_174 = vector.shape_cast %max3A_169 : vector<16xf32> to vector<1x16xf32>
          tpu.vector_store %arg11[%swap3A_170, %swap3A_171], %swap3A_174 {strides = array<i32>} : memref<80x128xf32, #tpu.memory_space<vmem>>, vector<1x16xf32>,
          %get3A_175 = arith.index_cast %scan3A_123 : i32 to index
          %get3A_176 = arith.constant 48 : index
          %get3A_177 = tpu.vector_load %arg10[%get3A_175, %get3A_176] {strides = array<i32>} : memref<80x128xf32, #tpu.memory_space<vmem>>, vector<1x16xf32>,
          %get3A_178 = vector.shape_cast %get3A_177 : vector<1x16xf32> to vector<16xf32>
          %get3A_179 = arith.index_cast %scan3A_123 : i32 to index
          %get3A_180 = arith.constant 48 : index
          %get3A_181 = tpu.vector_load %arg11[%get3A_179, %get3A_180] {strides = array<i32>} : memref<80x128xf32, #tpu.memory_space<vmem>>, vector<1x16xf32>,
          %get3A_182 = vector.shape_cast %get3A_181 : vector<1x16xf32> to vector<16xf32>
          %add3A_183 = arith.addf %get3A_178, %get3A_182 : vector<16xf32>
          %max3A_184 = arith.constant 0.000000e+00 : f32
          %max3A_185 = vector.broadcast %max3A_184 : f32 to vector<16xf32>
          %max3A_186 = arith.maximumf %add3A_183, %max3A_185 : vector<16xf32>
          %swap3A_187 = arith.index_cast %scan3A_123 : i32 to index
          %swap3A_188 = arith.constant 48 : index
          %swap3A_189 = tpu.vector_load %arg11[%swap3A_187, %swap3A_188] {strides = array<i32>} : memref<80x128xf32, #tpu.memory_space<vmem>>, vector<1x16xf32>,
          %swap3A_190 = vector.shape_cast %swap3A_189 : vector<1x16xf32> to vector<16xf32>
          %swap3A_191 = vector.shape_cast %max3A_186 : vector<16xf32> to vector<1x16xf32>
          tpu.vector_store %arg11[%swap3A_187, %swap3A_188], %swap3A_191 {strides = array<i32>} : memref<80x128xf32, #tpu.memory_space<vmem>>, vector<1x16xf32>,
          %get3A_192 = arith.index_cast %scan3A_123 : i32 to index
          %get3A_193 = arith.constant 64 : index
          %get3A_194 = tpu.vector_load %arg10[%get3A_192, %get3A_193] {strides = array<i32>} : memref<80x128xf32, #tpu.memory_space<vmem>>, vector<1x16xf32>,
          %get3A_195 = vector.shape_cast %get3A_194 : vector<1x16xf32> to vector<16xf32>
          %get3A_196 = arith.index_cast %scan3A_123 : i32 to index
          %get3A_197 = arith.constant 64 : index
          %get3A_198 = tpu.vector_load %arg11[%get3A_196, %get3A_197] {strides = array<i32>} : memref<80x128xf32, #tpu.memory_space<vmem>>, vector<1x16xf32>,
          %get3A_199 = vector.shape_cast %get3A_198 : vector<1x16xf32> to vector<16xf32>
          %add3A_200 = arith.addf %get3A_195, %get3A_199 : vector<16xf32>
          %max3A_201 = arith.constant 0.000000e+00 : f32
          %max3A_202 = vector.broadcast %max3A_201 : f32 to vector<16xf32>
          %max3A_203 = arith.maximumf %add3A_200, %max3A_202 : vector<16xf32>
          %swap3A_204 = arith.index_cast %scan3A_123 : i32 to index
          %swap3A_205 = arith.constant 64 : index
          %swap3A_206 = tpu.vector_load %arg11[%swap3A_204, %swap3A_205] {strides = array<i32>} : memref<80x128xf32, #tpu.memory_space<vmem>>, vector<1x16xf32>,
          %swap3A_207 = vector.shape_cast %swap3A_206 : vector<1x16xf32> to vector<16xf32>
          %swap3A_208 = vector.shape_cast %max3A_203 : vector<16xf32> to vector<1x16xf32>
          tpu.vector_store %arg11[%swap3A_204, %swap3A_205], %swap3A_208 {strides = array<i32>} : memref<80x128xf32, #tpu.memory_space<vmem>>, vector<1x16xf32>,
          %get3A_209 = arith.index_cast %scan3A_123 : i32 to index
          %get3A_210 = arith.constant 80 : index
          %get3A_211 = tpu.vector_load %arg10[%get3A_209, %get3A_210] {strides = array<i32>} : memref<80x128xf32, #tpu.memory_space<vmem>>, vector<1x16xf32>,
          %get3A_212 = vector.shape_cast %get3A_211 : vector<1x16xf32> to vector<16xf32>
          %get3A_213 = arith.index_cast %scan3A_123 : i32 to index
          %get3A_214 = arith.constant 80 : index
          %get3A_215 = tpu.vector_load %arg11[%get3A_213, %get3A_214] {strides = array<i32>} : memref<80x128xf32, #tpu.memory_space<vmem>>, vector<1x16xf32>,
          %get3A_216 = vector.shape_cast %get3A_215 : vector<1x16xf32> to vector<16xf32>
          %add3A_217 = arith.addf %get3A_212, %get3A_216 : vector<16xf32>
          %max3A_218 = arith.constant 0.000000e+00 : f32
          %max3A_219 = vector.broadcast %max3A_218 : f32 to vector<16xf32>
          %max3A_220 = arith.maximumf %add3A_217, %max3A_219 : vector<16xf32>
          %swap3A_221 = arith.index_cast %scan3A_123 : i32 to index
          %swap3A_222 = arith.constant 80 : index
          %swap3A_223 = tpu.vector_load %arg11[%swap3A_221, %swap3A_222] {strides = array<i32>} : memref<80x128xf32, #tpu.memory_space<vmem>>, vector<1x16xf32>,
          %swap3A_224 = vector.shape_cast %swap3A_223 : vector<1x16xf32> to vector<16xf32>
          %swap3A_225 = vector.shape_cast %max3A_220 : vector<16xf32> to vector<1x16xf32>
          tpu.vector_store %arg11[%swap3A_221, %swap3A_222], %swap3A_225 {strides = array<i32>} : memref<80x128xf32, #tpu.memory_space<vmem>>, vector<1x16xf32>,
          %get3A_226 = arith.index_cast %scan3A_123 : i32 to index
          %get3A_227 = arith.constant 96 : index
          %get3A_228 = tpu.vector_load %arg10[%get3A_226, %get3A_227] {strides = array<i32>} : memref<80x128xf32, #tpu.memory_space<vmem>>, vector<1x16xf32>,
          %get3A_229 = vector.shape_cast %get3A_228 : vector<1x16xf32> to vector<16xf32>
          %get3A_230 = arith.index_cast %scan3A_123 : i32 to index
          %get3A_231 = arith.constant 96 : index
          %get3A_232 = tpu.vector_load %arg11[%get3A_230, %get3A_231] {strides = array<i32>} : memref<80x128xf32, #tpu.memory_space<vmem>>, vector<1x16xf32>,
          %get3A_233 = vector.shape_cast %get3A_232 : vector<1x16xf32> to vector<16xf32>
          %add3A_234 = arith.addf %get3A_229, %get3A_233 : vector<16xf32>
          %max3A_235 = arith.constant 0.000000e+00 : f32
          %max3A_236 = vector.broadcast %max3A_235 : f32 to vector<16xf32>
          %max3A_237 = arith.maximumf %add3A_234, %max3A_236 : vector<16xf32>
          %swap3A_238 = arith.index_cast %scan3A_123 : i32 to index
          %swap3A_239 = arith.constant 96 : index
          %swap3A_240 = tpu.vector_load %arg11[%swap3A_238, %swap3A_239] {strides = array<i32>} : memref<80x128xf32, #tpu.memory_space<vmem>>, vector<1x16xf32>,
          %swap3A_241 = vector.shape_cast %swap3A_240 : vector<1x16xf32> to vector<16xf32>
          %swap3A_242 = vector.shape_cast %max3A_237 : vector<16xf32> to vector<1x16xf32>
          tpu.vector_store %arg11[%swap3A_238, %swap3A_239], %swap3A_242 {strides = array<i32>} : memref<80x128xf32, #tpu.memory_space<vmem>>, vector<1x16xf32>,
          %get3A_243 = arith.index_cast %scan3A_123 : i32 to index
          %get3A_244 = arith.constant 112 : index
          %get3A_245 = tpu.vector_load %arg10[%get3A_243, %get3A_244] {strides = array<i32>} : memref<80x128xf32, #tpu.memory_space<vmem>>, vector<1x16xf32>,
          %get3A_246 = vector.shape_cast %get3A_245 : vector<1x16xf32> to vector<16xf32>
          %get3A_247 = arith.index_cast %scan3A_123 : i32 to index
          %get3A_248 = arith.constant 112 : index
          %get3A_249 = tpu.vector_load %arg11[%get3A_247, %get3A_248] {strides = array<i32>} : memref<80x128xf32, #tpu.memory_space<vmem>>, vector<1x16xf32>,
          %get3A_250 = vector.shape_cast %get3A_249 : vector<1x16xf32> to vector<16xf32>
          %add3A_251 = arith.addf %get3A_246, %get3A_250 : vector<16xf32>
          %max3A_252 = arith.constant 0.000000e+00 : f32
          %max3A_253 = vector.broadcast %max3A_252 : f32 to vector<16xf32>
          %max3A_254 = arith.maximumf %add3A_251, %max3A_253 : vector<16xf32>
          %swap3A_255 = arith.index_cast %scan3A_123 : i32 to index
          %swap3A_256 = arith.constant 112 : index
          %swap3A_257 = tpu.vector_load %arg11[%swap3A_255, %swap3A_256] {strides = array<i32>} : memref<80x128xf32, #tpu.memory_space<vmem>>, vector<1x16xf32>,
          %swap3A_258 = vector.shape_cast %swap3A_257 : vector<1x16xf32> to vector<16xf32>
          %swap3A_259 = vector.shape_cast %max3A_254 : vector<16xf32> to vector<1x16xf32>
          tpu.vector_store %arg11[%swap3A_255, %swap3A_256], %swap3A_259 {strides = array<i32>} : memref<80x128xf32, #tpu.memory_space<vmem>>, vector<1x16xf32>,
          %scan3A_260 = arith.constant 0 : i32
          scf.yield %scan3A_260 : i32
        }
        %scan3A_121 = arith.constant 80 : i32
        "tpu.region"() ({
          %run_scoped3A = tpu.sem_alloc : memref<!tpu.dma_semaphore, #tpu.memory_space<semaphore_mem>>
          %dma_start3A_123 = arith.constant 0 : i32
          %dma_start3A_124 = arith.constant 0 : i32
          %dma_start3A_125 = tpu.memref_slice %arg13[%dma_start3A_123, %dma_start3A_124] : memref<10240x128xf32, #tpu.memory_space<vmem_shared>> -> memref<10240x128xf32, #tpu.memory_space<vmem_shared>>
          tpu.enqueue_indirect_dma source(%arg11 : memref<80x128xf32, #tpu.memory_space<vmem>>) target(%dma_start3A_125 : memref<10240x128xf32, #tpu.memory_space<vmem_shared>>) offsets(%arg9 : memref<80xi32, #tpu.memory_space<vmem>>) semaphore(%run_scoped3A : memref<!tpu.dma_semaphore, #tpu.memory_space<semaphore_mem>>) {add = true}
          %dma_wait3A_126 = arith.constant 0 : i32
          %dma_wait3A_127 = arith.constant 0 : i32
          %dma_wait3A_128 = tpu.memref_slice %arg13[%dma_wait3A_126, %dma_wait3A_127] : memref<10240x128xf32, #tpu.memory_space<vmem_shared>> -> memref<10240x128xf32, #tpu.memory_space<vmem_shared>>
          tpu.wait_indirect_dma semaphore(%run_scoped3A : memref<!tpu.dma_semaphore, #tpu.memory_space<semaphore_mem>>) src(%arg11 : memref<80x128xf32, #tpu.memory_space<vmem>>) dst(%dma_wait3A_128 : memref<10240x128xf32, #tpu.memory_space<vmem_shared>>)
          tpu.yield
        }) : () -> ()
        %scan3A_122 = arith.constant 0 : i32
        scf.yield %scan3A_122 : i32
      }
      %scan3A_52 = arith.constant 25 : i32
      %scan3A_53 = arith.constant 0 : i32
      scf.yield %scan3A_53 : i32
    }
    %scan3A_25 = arith.constant 10 : i32
    %barrier3A_26 = arith.constant 0 : index
    tpu.barrier barrier_id(%barrier3A_26)
    %scan3A_27 = arith.constant 0 : i32
    %scan3A_28 = arith.constant 0 : i32
    %scan3A_29 = arith.constant 10 : i32
    %scan3A_30 = arith.addi %scan3A_28, %scan3A_29 : i32
    %scan3A_31 = arith.constant 1 : i32
    %scan3A_32 = scf.for %scan3A_34 = %scan3A_28 to %scan3A_30 step %scan3A_31 iter_args(%scan3A_35 = %scan3A_27) -> (i32)  : i32 {
      %mul3A_36 = arith.constant 640 : i32
      %mul3A_37 = arith.muli %arg1, %mul3A_36 : i32
      %mul3A_38 = arith.constant 64 : i32
      %mul3A_39 = arith.muli %scan3A_34, %mul3A_38 : i32
      %add3A_40 = arith.addi %mul3A_37, %mul3A_39 : i32
      "tpu.region"() ({
        %run_scoped3A = tpu.sem_alloc : memref<!tpu.dma_semaphore, #tpu.memory_space<semaphore_mem>>
        %dma_start3A = arith.constant 0 : i32
        %dma_start3A_42 = tpu.memref_slice %arg13[%add3A_40, %dma_start3A] : memref<10240x128xf32, #tpu.memory_space<vmem_shared>> -> memref<64x128xf32, #tpu.memory_space<vmem_shared>>
        %dma_start3A_43 = arith.constant 0 : i32
        %dma_start3A_44 = tpu.memref_slice %arg13[%add3A_40, %dma_start3A_43] : memref<10240x128xf32, #tpu.memory_space<vmem_shared>> -> memref<64x128xf32, #tpu.memory_space<vmem_shared>>
        tpu.enqueue_dma source(%dma_start3A_44 : memref<64x128xf32, #tpu.memory_space<vmem_shared>>) target(%arg12 : memref<64x128xf32, #tpu.memory_space<vmem>>) target_semaphore(%run_scoped3A : memref<!tpu.dma_semaphore, #tpu.memory_space<semaphore_mem>>)
        %dma_wait3A = arith.constant 0 : i32
        %dma_wait3A_45 = tpu.memref_slice %arg13[%add3A_40, %dma_wait3A] : memref<10240x128xf32, #tpu.memory_space<vmem_shared>> -> memref<64x128xf32, #tpu.memory_space<vmem_shared>>
        %dma_wait3A_46 = arith.constant 0 : i32
        %dma_wait3A_47 = tpu.memref_slice %arg13[%add3A_40, %dma_wait3A_46] : memref<10240x128xf32, #tpu.memory_space<vmem_shared>> -> memref<64x128xf32, #tpu.memory_space<vmem_shared>>
        tpu.wait_dma2 semaphore(%run_scoped3A : memref<!tpu.dma_semaphore, #tpu.memory_space<semaphore_mem>>) src(%dma_wait3A_47 : memref<64x128xf32, #tpu.memory_space<vmem_shared>>) dst(%arg12 : memref<64x128xf32, #tpu.memory_space<vmem>>)
        tpu.yield
      }) : () -> ()
      "tpu.region"() ({
        %run_scoped3A = tpu.sem_alloc : memref<!tpu.dma_semaphore, #tpu.memory_space<semaphore_mem>>
        %dma_start3A = arith.constant 0 : i32
        %dma_start3A_42 = arith.constant 0 : i32
        %dma_start3A_43 = tpu.memref_slice %arg5[%arg0, %dma_start3A, %dma_start3A_42] : memref<2x10240x128xf32, #tpu.memory_space<hbm>> -> memref<1x10240x128xf32, #tpu.memory_space<hbm>>
        %dma_start3A_44 = tpu.memref_squeeze %dma_start3A_43 : memref<1x10240x128xf32, #tpu.memory_space<hbm>> -> memref<10240x128xf32, #tpu.memory_space<hbm>>
        %dma_start3A_45 = arith.constant 0 : i32
        %dma_start3A_46 = tpu.memref_slice %dma_start3A_44[%add3A_40, %dma_start3A_45] : memref<10240x128xf32, #tpu.memory_space<hbm>> -> memref<64x128xf32, #tpu.memory_space<hbm>>
        %dma_start3A_47 = arith.constant 0 : i32
        %dma_start3A_48 = arith.constant 0 : i32
        %dma_start3A_49 = tpu.memref_slice %arg5[%arg0, %dma_start3A_47, %dma_start3A_48] : memref<2x10240x128xf32, #tpu.memory_space<hbm>> -> memref<1x10240x128xf32, #tpu.memory_space<hbm>>
        %dma_start3A_50 = tpu.memref_squeeze %dma_start3A_49 : memref<1x10240x128xf32, #tpu.memory_space<hbm>> -> memref<10240x128xf32, #tpu.memory_space<hbm>>
        %dma_start3A_51 = arith.constant 0 : i32
        %dma_start3A_52 = tpu.memref_slice %dma_start3A_50[%add3A_40, %dma_start3A_51] : memref<10240x128xf32, #tpu.memory_space<hbm>> -> memref<64x128xf32, #tpu.memory_space<hbm>>
        tpu.enqueue_dma source(%arg12 : memref<64x128xf32, #tpu.memory_space<vmem>>) target(%dma_start3A_52 : memref<64x128xf32, #tpu.memory_space<hbm>>) target_semaphore(%run_scoped3A : memref<!tpu.dma_semaphore, #tpu.memory_space<semaphore_mem>>)
        %dma_wait3A = arith.constant 0 : i32
        %dma_wait3A_53 = arith.constant 0 : i32
        %dma_wait3A_54 = tpu.memref_slice %arg5[%arg0, %dma_wait3A, %dma_wait3A_53] : memref<2x10240x128xf32, #tpu.memory_space<hbm>> -> memref<1x10240x128xf32, #tpu.memory_space<hbm>>
        %dma_wait3A_55 = tpu.memref_squeeze %dma_wait3A_54 : memref<1x10240x128xf32, #tpu.memory_space<hbm>> -> memref<10240x128xf32, #tpu.memory_space<hbm>>
        %dma_wait3A_56 = arith.constant 0 : i32
        %dma_wait3A_57 = tpu.memref_slice %dma_wait3A_55[%add3A_40, %dma_wait3A_56] : memref<10240x128xf32, #tpu.memory_space<hbm>> -> memref<64x128xf32, #tpu.memory_space<hbm>>
        %dma_wait3A_58 = arith.constant 0 : i32
        %dma_wait3A_59 = arith.constant 0 : i32
        %dma_wait3A_60 = tpu.memref_slice %arg5[%arg0, %dma_wait3A_58, %dma_wait3A_59] : memref<2x10240x128xf32, #tpu.memory_space<hbm>> -> memref<1x10240x128xf32, #tpu.memory_space<hbm>>
        %dma_wait3A_61 = tpu.memref_squeeze %dma_wait3A_60 : memref<1x10240x128xf32, #tpu.memory_space<hbm>> -> memref<10240x128xf32, #tpu.memory_space<hbm>>
        %dma_wait3A_62 = arith.constant 0 : i32
        %dma_wait3A_63 = tpu.memref_slice %dma_wait3A_61[%add3A_40, %dma_wait3A_62] : memref<10240x128xf32, #tpu.memory_space<hbm>> -> memref<64x128xf32, #tpu.memory_space<hbm>>
        tpu.wait_dma2 semaphore(%run_scoped3A : memref<!tpu.dma_semaphore, #tpu.memory_space<semaphore_mem>>) src(%arg12 : memref<64x128xf32, #tpu.memory_space<vmem>>) dst(%dma_wait3A_63 : memref<64x128xf32, #tpu.memory_space<hbm>>)
        tpu.yield
      }) : () -> ()
      %scan3A_41 = arith.constant 0 : i32
      scf.yield %scan3A_41 : i32
    }
    %scan3A_33 = arith.constant 10 : i32
    return
  }
}

module attributes {stable_mosaic.version = 14 : i64} {
  func.func @_n1_body(%arg0: i32, %arg1: memref<2000x128xf32, #tpu.memory_space<vmem>>, %arg2: memref<256x256xf32, #tpu.memory_space<vmem>>, %arg3: memref<1x256xf32, #tpu.memory_space<vmem>>, %arg4: memref<4x2000x128xf32, #tpu.memory_space<vmem>>) attributes {dimension_semantics = [#tpu.dimension_semantics<arbitrary>], iteration_bounds = array<i64: 5>, scalar_prefetch = 0 : i64, scratch_operands = 0 : i64, tpu.core_type = #tpu.core_type<tc>, window_params = [{transform_indices = @transform_0, window_bounds = array<i64: 2000, 128>}, {pipeline_mode = #tpu.pipeline_mode<synchronous>, transform_indices = @transform_1, window_bounds = array<i64: 256, 256>}, {pipeline_mode = #tpu.pipeline_mode<synchronous>, transform_indices = @transform_2, window_bounds = array<i64: 1, 256>}, {transform_indices = @transform_3, window_bounds = array<i64: 4, 2000, 128>}]} {
    %get3A = arith.constant 0 : index
    %get3A_0 = arith.constant 0 : index
    %get3A_1 = vector.load %arg1[%get3A, %get3A_0] : memref<2000x128xf32, #tpu.memory_space<vmem>>, vector<2000x128xf32>
    %get3A_2 = arith.constant 0 : index
    %get3A_3 = arith.constant 0 : index
    %get3A_4 = vector.load %arg2[%get3A_2, %get3A_3] : memref<256x256xf32, #tpu.memory_space<vmem>>, vector<256x256xf32>
    %slice3A = vector.extract_strided_slice %get3A_4 {offsets = [0, 0], sizes = [128, 256], strides = [1, 1]} : vector<256x256xf32> to vector<128x256xf32>
    %dot_general3A = arith.constant dense<0.000000e+00> : vector<2000x256xf32>
    %dot_general3A_5 = tpu.matmul %get3A_1, %slice3A, %dot_general3A {dimension_numbers = #tpu.dot_dimension_numbers<[1], [0], [0], [1], [0, 0, 1, 1], [], []>, transpose_lhs_hint = false} : vector<2000x128xf32>, vector<128x256xf32>, vector<2000x256xf32> -> vector<2000x256xf32>
    %slice3A_6 = vector.extract_strided_slice %get3A_4 {offsets = [128, 0], sizes = [128, 256], strides = [1, 1]} : vector<256x256xf32> to vector<128x256xf32>
    %dot_general3A_7 = arith.constant dense<0.000000e+00> : vector<2000x256xf32>
    %dot_general3A_8 = tpu.matmul %get3A_1, %slice3A_6, %dot_general3A_7 {dimension_numbers = #tpu.dot_dimension_numbers<[1], [0], [0], [1], [0, 0, 1, 1], [], []>, transpose_lhs_hint = false} : vector<2000x128xf32>, vector<128x256xf32>, vector<2000x256xf32> -> vector<2000x256xf32>
    %get3A_9 = arith.constant 0 : index
    %get3A_10 = arith.constant 0 : index
    %get3A_11 = vector.load %arg3[%get3A_9, %get3A_10] : memref<1x256xf32, #tpu.memory_space<vmem>>, vector<1x256xf32>
    %add3A = vector.broadcast %get3A_11 : vector<1x256xf32> to vector<2000x256xf32>
    %add3A_12 = arith.addf %dot_general3A_8, %add3A : vector<2000x256xf32>
    %slice3A_13 = vector.extract_strided_slice %dot_general3A_5 {offsets = [0, 0], sizes = [2000, 128], strides = [1, 1]} : vector<2000x256xf32> to vector<2000x128xf32>
    %swap3A = arith.constant 0 : index
    %swap3A_14 = arith.constant 0 : index
    %swap3A_15 = arith.constant 0 : index
    %swap3A_16 = vector.load %arg4[%swap3A, %swap3A_14, %swap3A_15] : memref<4x2000x128xf32, #tpu.memory_space<vmem>>, vector<1x2000x128xf32>
    %swap3A_17 = vector.shape_cast %swap3A_16 : vector<1x2000x128xf32> to vector<2000x128xf32>
    %swap3A_18 = vector.shape_cast %slice3A_13 : vector<2000x128xf32> to vector<1x2000x128xf32>
    tpu.vector_store %arg4[%swap3A, %swap3A_14, %swap3A_15], %swap3A_18 {strides = array<i32>} : memref<4x2000x128xf32, #tpu.memory_space<vmem>>, vector<1x2000x128xf32>,
    %slice3A_19 = vector.extract_strided_slice %dot_general3A_5 {offsets = [0, 128], sizes = [2000, 128], strides = [1, 1]} : vector<2000x256xf32> to vector<2000x128xf32>
    %swap3A_20 = arith.constant 1 : index
    %swap3A_21 = arith.constant 0 : index
    %swap3A_22 = arith.constant 0 : index
    %swap3A_23 = vector.load %arg4[%swap3A_20, %swap3A_21, %swap3A_22] : memref<4x2000x128xf32, #tpu.memory_space<vmem>>, vector<1x2000x128xf32>
    %swap3A_24 = vector.shape_cast %swap3A_23 : vector<1x2000x128xf32> to vector<2000x128xf32>
    %swap3A_25 = vector.shape_cast %slice3A_19 : vector<2000x128xf32> to vector<1x2000x128xf32>
    tpu.vector_store %arg4[%swap3A_20, %swap3A_21, %swap3A_22], %swap3A_25 {strides = array<i32>} : memref<4x2000x128xf32, #tpu.memory_space<vmem>>, vector<1x2000x128xf32>,
    %slice3A_26 = vector.extract_strided_slice %add3A_12 {offsets = [0, 0], sizes = [2000, 128], strides = [1, 1]} : vector<2000x256xf32> to vector<2000x128xf32>
    %swap3A_27 = arith.constant 2 : index
    %swap3A_28 = arith.constant 0 : index
    %swap3A_29 = arith.constant 0 : index
    %swap3A_30 = vector.load %arg4[%swap3A_27, %swap3A_28, %swap3A_29] : memref<4x2000x128xf32, #tpu.memory_space<vmem>>, vector<1x2000x128xf32>
    %swap3A_31 = vector.shape_cast %swap3A_30 : vector<1x2000x128xf32> to vector<2000x128xf32>
    %swap3A_32 = vector.shape_cast %slice3A_26 : vector<2000x128xf32> to vector<1x2000x128xf32>
    tpu.vector_store %arg4[%swap3A_27, %swap3A_28, %swap3A_29], %swap3A_32 {strides = array<i32>} : memref<4x2000x128xf32, #tpu.memory_space<vmem>>, vector<1x2000x128xf32>,
    %slice3A_33 = vector.extract_strided_slice %add3A_12 {offsets = [0, 128], sizes = [2000, 128], strides = [1, 1]} : vector<2000x256xf32> to vector<2000x128xf32>
    %swap3A_34 = arith.constant 3 : index
    %swap3A_35 = arith.constant 0 : index
    %swap3A_36 = arith.constant 0 : index
    %swap3A_37 = vector.load %arg4[%swap3A_34, %swap3A_35, %swap3A_36] : memref<4x2000x128xf32, #tpu.memory_space<vmem>>, vector<1x2000x128xf32>
    %swap3A_38 = vector.shape_cast %swap3A_37 : vector<1x2000x128xf32> to vector<2000x128xf32>
    %swap3A_39 = vector.shape_cast %slice3A_33 : vector<2000x128xf32> to vector<1x2000x128xf32>
    tpu.vector_store %arg4[%swap3A_34, %swap3A_35, %swap3A_36], %swap3A_39 {strides = array<i32>} : memref<4x2000x128xf32, #tpu.memory_space<vmem>>, vector<1x2000x128xf32>,
    return
  }
  func.func @transform_0(%arg0: i32) -> (i32, i32) {
    %c0_i32 = arith.constant 0 : i32
    %c0_i32_0 = arith.constant 0 : i32
    return %arg0, %c0_i32 : i32, i32
  }
  func.func @transform_1(%arg0: i32) -> (i32, i32) {
    %c0_i32 = arith.constant 0 : i32
    %c0_i32_0 = arith.constant 0 : i32
    %c0_i32_1 = arith.constant 0 : i32
    return %c0_i32, %c0_i32_0 : i32, i32
  }
  func.func @transform_2(%arg0: i32) -> (i32, i32) {
    %c0_i32 = arith.constant 0 : i32
    %c0_i32_0 = arith.constant 0 : i32
    %c0_i32_1 = arith.constant 0 : i32
    return %c0_i32, %c0_i32_0 : i32, i32
  }
  func.func @transform_3(%arg0: i32) -> (i32, i32, i32) {
    %c0_i32 = arith.constant 0 : i32
    %c0_i32_0 = arith.constant 0 : i32
    %c0_i32_1 = arith.constant 0 : i32
    return %c0_i32, %arg0, %c0_i32_0 : i32, i32, i32
  }
}

module attributes {stable_mosaic.version = 14 : i64} {
  func.func @_n2_body(%arg0: i32, %arg1: memref<2x2048x128xf32, #tpu.memory_space<vmem>>, %arg2: memref<256x128xf32, #tpu.memory_space<vmem>>, %arg3: memref<1x128xf32, #tpu.memory_space<vmem>>, %arg4: memref<256x128xf32, #tpu.memory_space<vmem>>, %arg5: memref<1x128xf32, #tpu.memory_space<vmem>>, %arg6: memref<2x2048x128xf32, #tpu.memory_space<vmem>>) attributes {dimension_semantics = [#tpu.dimension_semantics<arbitrary>], iteration_bounds = array<i64: 5>, scalar_prefetch = 0 : i64, scratch_operands = 0 : i64, tpu.core_type = #tpu.core_type<tc>, window_params = [{transform_indices = @transform_0, window_bounds = array<i64: 2, 2048, 128>}, {pipeline_mode = #tpu.pipeline_mode<synchronous>, transform_indices = @transform_1, window_bounds = array<i64: 256, 128>}, {pipeline_mode = #tpu.pipeline_mode<synchronous>, transform_indices = @transform_2, window_bounds = array<i64: 1, 128>}, {pipeline_mode = #tpu.pipeline_mode<synchronous>, transform_indices = @transform_3, window_bounds = array<i64: 256, 128>}, {pipeline_mode = #tpu.pipeline_mode<synchronous>, transform_indices = @transform_4, window_bounds = array<i64: 1, 128>}, {transform_indices = @transform_5, window_bounds = array<i64: 2, 2048, 128>}]} {
    %get3A = arith.constant 0 : index
    %get3A_0 = arith.constant 0 : index
    %get3A_1 = vector.load %arg2[%get3A, %get3A_0] : memref<256x128xf32, #tpu.memory_space<vmem>>, vector<256x128xf32>
    %get3A_2 = arith.constant 0 : index
    %get3A_3 = arith.constant 0 : index
    %get3A_4 = vector.load %arg4[%get3A_2, %get3A_3] : memref<256x128xf32, #tpu.memory_space<vmem>>, vector<256x128xf32>
    %get3A_5 = arith.constant 0 : index
    %get3A_6 = arith.constant 0 : index
    %get3A_7 = arith.constant 0 : index
    %get3A_8 = vector.load %arg1[%get3A_5, %get3A_6, %get3A_7] : memref<2x2048x128xf32, #tpu.memory_space<vmem>>, vector<1x2048x128xf32>
    %get3A_9 = vector.shape_cast %get3A_8 : vector<1x2048x128xf32> to vector<2048x128xf32>
    %slice3A = vector.extract_strided_slice %get3A_1 {offsets = [0, 0], sizes = [128, 128], strides = [1, 1]} : vector<256x128xf32> to vector<128x128xf32>
    %dot_general3A = arith.constant dense<0.000000e+00> : vector<2048x128xf32>
    %dot_general3A_10 = tpu.matmul %get3A_9, %slice3A, %dot_general3A {dimension_numbers = #tpu.dot_dimension_numbers<[1], [0], [0], [1], [0, 0, 1, 1], [], []>, transpose_lhs_hint = false} : vector<2048x128xf32>, vector<128x128xf32>, vector<2048x128xf32> -> vector<2048x128xf32>
    %get3A_11 = arith.constant 1 : index
    %get3A_12 = arith.constant 0 : index
    %get3A_13 = arith.constant 0 : index
    %get3A_14 = vector.load %arg1[%get3A_11, %get3A_12, %get3A_13] : memref<2x2048x128xf32, #tpu.memory_space<vmem>>, vector<1x2048x128xf32>
    %get3A_15 = vector.shape_cast %get3A_14 : vector<1x2048x128xf32> to vector<2048x128xf32>
    %slice3A_16 = vector.extract_strided_slice %get3A_1 {offsets = [128, 0], sizes = [128, 128], strides = [1, 1]} : vector<256x128xf32> to vector<128x128xf32>
    %dot_general3A_17 = arith.constant dense<0.000000e+00> : vector<2048x128xf32>
    %dot_general3A_18 = tpu.matmul %get3A_15, %slice3A_16, %dot_general3A_17 {dimension_numbers = #tpu.dot_dimension_numbers<[1], [0], [0], [1], [0, 0, 1, 1], [], []>, transpose_lhs_hint = false} : vector<2048x128xf32>, vector<128x128xf32>, vector<2048x128xf32> -> vector<2048x128xf32>
    %add3A = arith.addf %dot_general3A_10, %dot_general3A_18 : vector<2048x128xf32>
    %get3A_19 = arith.constant 0 : index
    %get3A_20 = arith.constant 0 : index
    %get3A_21 = vector.load %arg3[%get3A_19, %get3A_20] : memref<1x128xf32, #tpu.memory_space<vmem>>, vector<1x128xf32>
    %add3A_22 = vector.broadcast %get3A_21 : vector<1x128xf32> to vector<2048x128xf32>
    %add3A_23 = arith.addf %add3A, %add3A_22 : vector<2048x128xf32>
    %max3A = arith.constant 0.000000e+00 : f32
    %max3A_24 = vector.broadcast %max3A : f32 to vector<2048x128xf32>
    %max3A_25 = arith.maximumf %add3A_23, %max3A_24 : vector<2048x128xf32>
    %slice3A_26 = vector.extract_strided_slice %get3A_4 {offsets = [0, 0], sizes = [128, 128], strides = [1, 1]} : vector<256x128xf32> to vector<128x128xf32>
    %dot_general3A_27 = arith.constant dense<0.000000e+00> : vector<2048x128xf32>
    %dot_general3A_28 = tpu.matmul %max3A_25, %slice3A_26, %dot_general3A_27 {dimension_numbers = #tpu.dot_dimension_numbers<[1], [0], [0], [1], [0, 0, 1, 1], [], []>, transpose_lhs_hint = false} : vector<2048x128xf32>, vector<128x128xf32>, vector<2048x128xf32> -> vector<2048x128xf32>
    %swap3A = arith.constant 0 : index
    %swap3A_29 = arith.constant 0 : index
    %swap3A_30 = arith.constant 0 : index
    %swap3A_31 = vector.load %arg6[%swap3A, %swap3A_29, %swap3A_30] : memref<2x2048x128xf32, #tpu.memory_space<vmem>>, vector<1x2048x128xf32>
    %swap3A_32 = vector.shape_cast %swap3A_31 : vector<1x2048x128xf32> to vector<2048x128xf32>
    %swap3A_33 = vector.shape_cast %dot_general3A_28 : vector<2048x128xf32> to vector<1x2048x128xf32>
    tpu.vector_store %arg6[%swap3A, %swap3A_29, %swap3A_30], %swap3A_33 {strides = array<i32>} : memref<2x2048x128xf32, #tpu.memory_space<vmem>>, vector<1x2048x128xf32>,
    %slice3A_34 = vector.extract_strided_slice %get3A_4 {offsets = [128, 0], sizes = [128, 128], strides = [1, 1]} : vector<256x128xf32> to vector<128x128xf32>
    %dot_general3A_35 = arith.constant dense<0.000000e+00> : vector<2048x128xf32>
    %dot_general3A_36 = tpu.matmul %max3A_25, %slice3A_34, %dot_general3A_35 {dimension_numbers = #tpu.dot_dimension_numbers<[1], [0], [0], [1], [0, 0, 1, 1], [], []>, transpose_lhs_hint = false} : vector<2048x128xf32>, vector<128x128xf32>, vector<2048x128xf32> -> vector<2048x128xf32>
    %get3A_37 = arith.constant 0 : index
    %get3A_38 = arith.constant 0 : index
    %get3A_39 = vector.load %arg5[%get3A_37, %get3A_38] : memref<1x128xf32, #tpu.memory_space<vmem>>, vector<1x128xf32>
    %add3A_40 = vector.broadcast %get3A_39 : vector<1x128xf32> to vector<2048x128xf32>
    %add3A_41 = arith.addf %dot_general3A_36, %add3A_40 : vector<2048x128xf32>
    %swap3A_42 = arith.constant 1 : index
    %swap3A_43 = arith.constant 0 : index
    %swap3A_44 = arith.constant 0 : index
    %swap3A_45 = vector.load %arg6[%swap3A_42, %swap3A_43, %swap3A_44] : memref<2x2048x128xf32, #tpu.memory_space<vmem>>, vector<1x2048x128xf32>
    %swap3A_46 = vector.shape_cast %swap3A_45 : vector<1x2048x128xf32> to vector<2048x128xf32>
    %swap3A_47 = vector.shape_cast %add3A_41 : vector<2048x128xf32> to vector<1x2048x128xf32>
    tpu.vector_store %arg6[%swap3A_42, %swap3A_43, %swap3A_44], %swap3A_47 {strides = array<i32>} : memref<2x2048x128xf32, #tpu.memory_space<vmem>>, vector<1x2048x128xf32>,
    return
  }
  func.func @transform_0(%arg0: i32) -> (i32, i32, i32) {
    %c0_i32 = arith.constant 0 : i32
    %c0_i32_0 = arith.constant 0 : i32
    %c0_i32_1 = arith.constant 0 : i32
    return %c0_i32, %arg0, %c0_i32_0 : i32, i32, i32
  }
  func.func @transform_1(%arg0: i32) -> (i32, i32) {
    %c0_i32 = arith.constant 0 : i32
    %c0_i32_0 = arith.constant 0 : i32
    %c0_i32_1 = arith.constant 0 : i32
    return %c0_i32, %c0_i32_0 : i32, i32
  }
  func.func @transform_2(%arg0: i32) -> (i32, i32) {
    %c0_i32 = arith.constant 0 : i32
    %c0_i32_0 = arith.constant 0 : i32
    %c0_i32_1 = arith.constant 0 : i32
    return %c0_i32, %c0_i32_0 : i32, i32
  }
  func.func @transform_3(%arg0: i32) -> (i32, i32) {
    %c0_i32 = arith.constant 0 : i32
    %c0_i32_0 = arith.constant 0 : i32
    %c0_i32_1 = arith.constant 0 : i32
    return %c0_i32, %c0_i32_0 : i32, i32
  }
  func.func @transform_4(%arg0: i32) -> (i32, i32) {
    %c0_i32 = arith.constant 0 : i32
    %c0_i32_0 = arith.constant 0 : i32
    %c0_i32_1 = arith.constant 0 : i32
    return %c0_i32, %c0_i32_0 : i32, i32
  }
  func.func @transform_5(%arg0: i32) -> (i32, i32, i32) {
    %c0_i32 = arith.constant 0 : i32
    %c0_i32_0 = arith.constant 0 : i32
    %c0_i32_1 = arith.constant 0 : i32
    return %c0_i32, %arg0, %c0_i32_0 : i32, i32, i32
  }
}

module attributes {stable_mosaic.version = 14 : i64} {
  func.func @_head_body(%arg0: i32, %arg1: memref<2000x128xf32, #tpu.memory_space<vmem>>, %arg2: memref<128x128xf32, #tpu.memory_space<vmem>>, %arg3: memref<1x128xf32, #tpu.memory_space<vmem>>, %arg4: memref<2000x40xf32, #tpu.memory_space<vmem>>) attributes {dimension_semantics = [#tpu.dimension_semantics<arbitrary>], iteration_bounds = array<i64: 160>, scalar_prefetch = 0 : i64, scratch_operands = 0 : i64, tpu.core_type = #tpu.core_type<tc>, window_params = [{transform_indices = @transform_0, window_bounds = array<i64: 2000, 128>}, {pipeline_mode = #tpu.pipeline_mode<synchronous>, transform_indices = @transform_1, window_bounds = array<i64: 128, 128>}, {pipeline_mode = #tpu.pipeline_mode<synchronous>, transform_indices = @transform_2, window_bounds = array<i64: 1, 128>}, {transform_indices = @transform_3, window_bounds = array<i64: 2000, 40>}]} {
    %get3A = arith.constant 0 : index
    %get3A_0 = arith.constant 0 : index
    %get3A_1 = vector.load %arg1[%get3A, %get3A_0] : memref<2000x128xf32, #tpu.memory_space<vmem>>, vector<2000x128xf32>
    %get3A_2 = arith.constant 0 : index
    %get3A_3 = arith.constant 0 : index
    %get3A_4 = vector.load %arg2[%get3A_2, %get3A_3] : memref<128x128xf32, #tpu.memory_space<vmem>>, vector<128x128xf32>
    %dot_general3A = arith.constant dense<0.000000e+00> : vector<2000x128xf32>
    %dot_general3A_5 = tpu.matmul %get3A_1, %get3A_4, %dot_general3A {dimension_numbers = #tpu.dot_dimension_numbers<[1], [0], [0], [1], [0, 0, 1, 1], [], []>, transpose_lhs_hint = false} : vector<2000x128xf32>, vector<128x128xf32>, vector<2000x128xf32> -> vector<2000x128xf32>
    %get3A_6 = arith.constant 0 : index
    %get3A_7 = arith.constant 0 : index
    %get3A_8 = vector.load %arg3[%get3A_6, %get3A_7] : memref<1x128xf32, #tpu.memory_space<vmem>>, vector<1x128xf32>
    %add3A = vector.broadcast %get3A_8 : vector<1x128xf32> to vector<2000x128xf32>
    %add3A_9 = arith.addf %dot_general3A_5, %add3A : vector<2000x128xf32>
    %iota3A = tpu.iota {dimensions = array<i32: 1>} : vector<2000x128xi32>
    %lt3A = arith.constant 40 : i32
    %lt3A_10 = vector.broadcast %lt3A : i32 to vector<2000x128xi32>
    %lt3A_11 = arith.cmpi slt, %iota3A, %lt3A_10 : vector<2000x128xi32>
    %jit3A = arith.constant -1.000000e+30 : f32
    %broadcast_in_dim3A = vector.broadcast %jit3A : f32 to vector<2000x128xf32>
    %select_n3A = arith.select %lt3A_11, %add3A_9, %broadcast_in_dim3A : vector<2000x128xi1>, vector<2000x128xf32>
    %reduce_max3A = arith.constant dense<0xFF800000> : vector<2000xf32>
    %reduce_max3A_12 = vector.multi_reduction <maximumf>, %select_n3A, %reduce_max3A [1] : vector<2000x128xf32> to vector<2000xf32>
    %broadcast_in_dim3A_13 = vector.shape_cast %reduce_max3A_12 : vector<2000xf32> to vector<2000x1xf32>
    %sub3A = vector.broadcast %broadcast_in_dim3A_13 : vector<2000x1xf32> to vector<2000x128xf32>
    %sub3A_14 = arith.subf %select_n3A, %sub3A : vector<2000x128xf32>
    %exp3A = math.exp %sub3A_14 : vector<2000x128xf32>
    %reduce_sum3A = arith.constant dense<0.000000e+00> : vector<2000xf32>
    %reduce_sum3A_15 = vector.multi_reduction <add>, %exp3A, %reduce_sum3A [1] : vector<2000x128xf32> to vector<2000xf32>
    %broadcast_in_dim3A_16 = vector.shape_cast %reduce_sum3A_15 : vector<2000xf32> to vector<2000x1xf32>
    %log3A = math.log %broadcast_in_dim3A_16 : vector<2000x1xf32>
    %add3A_17 = arith.addf %broadcast_in_dim3A_13, %log3A : vector<2000x1xf32>
    %sub3A_18 = vector.broadcast %add3A_17 : vector<2000x1xf32> to vector<2000x128xf32>
    %sub3A_19 = arith.subf %select_n3A, %sub3A_18 : vector<2000x128xf32>
    %slice3A = vector.extract_strided_slice %sub3A_19 {offsets = [0, 0], sizes = [2000, 40], strides = [1, 1]} : vector<2000x128xf32> to vector<2000x40xf32>
    %swap3A = arith.constant 0 : index
    %swap3A_20 = arith.constant 0 : index
    %swap3A_21 = vector.load %arg4[%swap3A, %swap3A_20] : memref<2000x40xf32, #tpu.memory_space<vmem>>, vector<2000x40xf32>
    tpu.vector_store %arg4[%swap3A, %swap3A_20], %slice3A {strides = array<i32>} : memref<2000x40xf32, #tpu.memory_space<vmem>>, vector<2000x40xf32>,
    return
  }
  func.func @transform_0(%arg0: i32) -> (i32, i32) {
    %c0_i32 = arith.constant 0 : i32
    %c0_i32_0 = arith.constant 0 : i32
    return %arg0, %c0_i32 : i32, i32
  }
  func.func @transform_1(%arg0: i32) -> (i32, i32) {
    %c0_i32 = arith.constant 0 : i32
    %c0_i32_0 = arith.constant 0 : i32
    %c0_i32_1 = arith.constant 0 : i32
    return %c0_i32, %c0_i32_0 : i32, i32
  }
  func.func @transform_2(%arg0: i32) -> (i32, i32) {
    %c0_i32 = arith.constant 0 : i32
    %c0_i32_0 = arith.constant 0 : i32
    %c0_i32_1 = arith.constant 0 : i32
    return %c0_i32, %c0_i32_0 : i32, i32
  }
  func.func @transform_3(%arg0: i32) -> (i32, i32) {
    %c0_i32 = arith.constant 0 : i32
    %c0_i32_0 = arith.constant 0 : i32
    return %arg0, %c0_i32 : i32, i32
  }
}

</mosaic_0001>

<sc_bundles>
// kernel: kernel.10.cloned.1.call-start
scs
__scs_entry_jumppad:
0x0: {  	(pc) =	sbr.rel $0x88, $3  }
0x1: {  	(tag) =	ssettag $0x0;
	lr =	simm.s32 $0x1  }
0x2: {  	[smem:$0x3F97] =	sst lr;
	_ =	strace $0xD0000000  }
0x3: {  	_ = 	snop  }
0x4: {  	_ = 	snop  }
0x5: {  	_ = 	snop  }
0x6: {  	_ = 	snop  }
0x7: {  	_ = 	snop  }
__scs_overlays_trampoline_lowered:
0x8: {  	[smem:$0x3FA6] =	sst s0  }
0x9: {  	[smem:$0x3FA7] =	sst s1  }
0xa: {  	[smem:$0x3FA8] =	sst s2  }
0xb: {  	[smem:$0x3FA9] =	sst s3  }
0xc: {  	[smem:$0x3FAA] =	sst s4  }
0xd: {  	[smem:$0x3FAB] =	sst s5  }
0xe: {  	[smem:$0x3FAC] =	sst s6  }
0xf: {  	[smem:$0x3FAD] =	sst s7  }
0x10: {  	[smem:$0x3FAE] =	sst s8  }
0x11: {  	[smem:$0x3FAF] =	sst s9;
	s0 =	simm.s32 @!p0 $0x0  }
0x12: {  	s1 =	sld [smem:$0x3F95];
	s0 =	simm.s32 @p0 $0x1  }
0x13: {  	[smem:$0x3FB0] =	sst s0;
	s0 =	simm.s32 @!p1 $0x0  }
0x14: {  	s2 =	sld [smem:$0x3F94];
	s0 =	simm.s32 @p1 $0x1  }
0x15: {  	[smem:$0x3FB1] =	sst s0;
	s0 =	simm.s32 @!p2 $0x0  }
0x16: {  	s3 =	sld [smem:$0x3FDB];
	s0 =	simm.s32 @p2 $0x1  }
0x17: {  	s4 =	simm.s32 $0x1BF5;
	[smem:$0x3FB3] =	sst s0  }
0x18: {  	s0 =	sld [smem:$0x3F96];
	_ =	swait.ge [sflag:s4], $0x0  }
0x19: {  	s7 =	sld [smem:$0x3F97]  }
0x1a: {  	s8 =	sadd.s32 $0xFFFFE003, lr  }
0x1b: {  	s9 =	sadd.s32 $0xFFFFFEF7, lr;
	s5 =	simm.s32 $0xFFFFFFFF;
	p2 =	slt.u32 s8, $0xFFFFF086  }
0x1c: {  	p1 =	slt.u32 s9, $0xF7A;
	s5 =	simm.s32 @!p2 $0x0  }
0x1d: {  	s5 =	simm.s32 @p1 $0x1;
	p0 =	seq.s32 s7, s2  }
0x1e: {  	s7 =	smul.u32 @!p0 $0xF7A, s2;
	p2 =	seq.s32 @!p0 s5, $0x0  }
0x1f: {  	s9 =	smul.u32 $0xF7A, s1;
	s8 =	simm.s32 @!p0 $0x1BF5;
	p2 =	por !p2, p0  }
0x20: {  	[sflag:s8] =	ssyncset.s32 @!p0 $0xFFFFF086;
	s6 =	sadd.s32 @!p0 s3, s7;
	s7 =	simm.s32 @!p0 $0x108  }
0x21: {  	s3 =	sadd.s32 s3, s9;
	s6 =	sadd.s32 @!p0 $0x88, s6;
	s7 =	simm.s32 @p2 $0x1082  }
0x22: {  	[simem:s7], [sflag:s8] =	dma.local @!p0 [hbm:s6], $0xF7A  }
0x23: {  	s9 =	sor.u32 $0xD0000000, s2;
	s6 =	simm.s32 $0x108;
	_ =	swait.ge @!p0 [sflag:s8], $0x0  }
0x24: {  	s3 =	sadd.s32 $0x88, s3;
	s6 =	simm.s32 @!p1 $0x1082;
	[sflag:s4] =	ssyncset.s32 $0xFFFFF086  }
0x25: {  	[simem:s6], [sflag:s4] =	dma.local [hbm:s3], $0xF7A  }
0x26: {  	[smem:$0x3F97] =	sst s1;
	(tag) =	ssettag s2;
	_ =	strace s9  }
0x27: {  	s1 =	sld [smem:$0x3FA7]  }
0x28: {  	s2 =	sld [smem:$0x3FA8]  }
0x29: {  	s4 =	sld [smem:$0x3FAA]  }
0x2a: {  	p0 =	seq.s32 s5, $0x0;
	s5 =	sld [smem:$0x3FAB]  }
0x2b: {  	s6 =	sld [smem:$0x3FAC]  }
0x2c: {  	s7 =	sld [smem:$0x3FAD]  }
0x2d: {  	s3 =	simm.s32 $0x108;
	s8 =	sld [smem:$0x3FAE]  }
0x2e: {  	s3 =	simm.s32 @!p0 $0x1082;
	s9 =	sld [smem:$0x3FAF]  }
0x2f: {  	lr =	sadd.s32 s0, s3;
	s0 =	sld [smem:$0x3FA6]  }
0x30: {  	s3 =	sld [smem:$0x3FA9]  }
0x31: {  	[smem:$0x3FB2] =	sst s10  }
0x32: {  	s10 =	sld [smem:$0x3FB0];
	_ =	sdelay $0x3  }
0x33: {  	p0 =	seq.s32 s10, $0x1;
	s10 =	sld [smem:$0x3FB2];
	_ =	sdelay $0x3  }
0x34: {  	[smem:$0x3FB2] =	sst s10  }
0x35: {  	s10 =	sld [smem:$0x3FB1];
	_ =	sdelay $0x3  }
0x36: {  	p1 =	seq.s32 s10, $0x1;
	s10 =	sld [smem:$0x3FB2];
	_ =	sdelay $0x3  }
0x37: {  	[smem:$0x3FB2] =	sst s10  }
0x38: {  	s10 =	sld [smem:$0x3FB3]  }
0x39: {  	_ = 	snop;
	(pc) =	sbr.ind lr, $3  }
0x3a: {  	_ = 	snop  }
0x3b: {  	_ = 	snop  }
0x3c: {  	p2 =	seq.s32 s10, $0x1;
	s10 =	sld [smem:$0x3FB2]  }
0x3d: {  	_ =	shalt  }
0x3e: {  	_ =	shalt  }
0x3f: {  	_ =	shalt  }
0x40: {  	_ =	shalt  }
0x41: {  	_ =	shalt  }
0x42: {  	_ =	shalt  }
0x43: {  	_ =	shalt  }
0x44: {  	_ =	shalt  }
0x45: {  	_ =	shalt  }
0x46: {  	_ =	shalt  }
0x47: {  	_ =	shalt  }
0x48: {  	_ =	shalt  }
0x49: {  	_ =	shalt  }
0x4a: {  	_ =	shalt  }
0x4b: {  	_ =	shalt  }
0x4c: {  	_ =	shalt  }
0x4d: {  	_ =	shalt  }
0x4e: {  	_ =	shalt  }
0x4f: {  	_ =	shalt  }
0x50: {  	_ =	shalt  }
0x51: {  	_ =	shalt  }
0x52: {  	_ =	shalt  }
0x53: {  	_ =	shalt  }
0x54: {  	_ =	shalt  }
0x55: {  	_ =	shalt  }
0x56: {  	_ =	shalt  }
0x57: {  	_ =	shalt  }
0x58: {  	_ =	shalt  }
0x59: {  	_ =	shalt  }
0x5a: {  	_ =	shalt  }
0x5b: {  	_ =	shalt  }
0x5c: {  	_ =	shalt  }
0x5d: {  	_ =	shalt  }
0x5e: {  	_ =	shalt  }
0x5f: {  	_ =	shalt  }
0x60: {  	_ =	shalt  }
0x61: {  	_ =	shalt  }
0x62: {  	_ =	shalt  }
0x63: {  	_ =	shalt  }
0x64: {  	_ =	shalt  }
0x65: {  	_ =	shalt  }
0x66: {  	_ =	shalt  }
0x67: {  	_ =	shalt  }
0x68: {  	_ =	shalt  }
0x69: {  	_ =	shalt  }
0x6a: {  	_ =	shalt  }
0x6b: {  	_ =	shalt  }
0x6c: {  	_ =	shalt  }
0x6d: {  	_ =	shalt  }
0x6e: {  	_ =	shalt  }
0x6f: {  	_ =	shalt  }
0x70: {  	_ =	shalt  }
0x71: {  	_ =	shalt  }
0x72: {  	_ =	shalt  }
0x73: {  	_ =	shalt  }
0x74: {  	_ =	shalt  }
0x75: {  	_ =	shalt  }
0x76: {  	_ =	shalt  }
0x77: {  	_ =	shalt  }
0x78: {  	_ =	shalt  }
0x79: {  	_ =	shalt  }
0x7a: {  	_ =	shalt  }
0x7b: {  	_ =	shalt  }
0x7c: {  	_ =	shalt  }
0x7d: {  	_ =	shalt  }
0x7e: {  	_ =	shalt  }
0x7f: {  	_ =	shalt  }
0x80: {  	_ =	shalt  }
0x81: {  	_ =	shalt  }
0x82: {  	_ =	shalt  }
0x83: {  	_ =	shalt  }
0x84: {  	_ =	shalt  }
0x85: {  	_ =	shalt  }
0x86: {  	_ =	shalt  }
0x87: {  	_ =	shalt  }
.Lfunc_end0:
.L_simem_size_0:
called_computation.1_lowered:
.L_overlay_start_0:
0x88: {  	s2 =	sld [smem:$0x3FD9]  }
0x89: {  	s3 =	sld [smem:$0x3FFE];
	_ =	sdelay $0x1  }
0x8a: {  	s1 =	srdreg.scid  }
0x8b: {  	s0 =	sand.u32 $0x1, s1  }
0x8c: {  	s17 =	sshll.u32 s0, $0xA;
	s2 =	sadd.s32 s3, s2  }
0x8d: {  	s2 =	sadd.s32 s2, s17  }
0x8e: {  	[smem:$0x3FBE] =	sst s2  }
0x8f: {  	_ = 	snop  }
0x90: {  	s2 =	sld [smem:$0x3FD0];
	(tm) =	ssettm $0x1  }
0x91: {  	s18 =	sld [smem:$0x3FFB];
	_ =	sdelay $0x3  }
0x92: {  	_ =	strace s18  }
0x93: {  	s3 =	sld [smem:$0x3FFC];
	_ =	sdelay $0x3  }
0x94: {  	_ =	strace s3  }
0x95: {  	s3 =	sld [smem:$0x3FFD];
	_ =	sdelay $0x3  }
0x96: {  	_ =	strace s3  }
0x97: {  	_ =	strace $0x8FFFFFFF  }
0x98: {  	s19 =	sld [smem:$0x3FDB];
	_ =	sdelay $0x1  }
0x99: {  	s4 =	simm.s32 $_scs_section_size  }
0x9a: {  	s5 =	simm.s32 $_size__tile_overlayer_lowered;
	s6 =	simm.s32 $_tile_overlayer_lowered  }
0x9b: {  	s22 =	simm.s32 $0x1BFF;
	s21 =	sshll.u32 s6, $0x1;
	s3 =	sadd.s32 s4, s19  }
0x9c: {  	s7 =	simm.s32 $0x0;
	s20 =	sshll.u32 s5, $0x1;
	s5 =	sadd.s32 s21, s3  }
0x9d: {  	[timem:s7], [sflag:s22] =	dma.local [hbm:s5], s20  }
0x9e: {  	_ =	swait.ge [sflag:s22], s20  }
0x9f: {  	s4 =	ssub.s32 $0x0, s20;
	[sflag:s22] =	ssyncset.done $0x0  }
0xa0: {  	[sflag:s22] =	ssyncadd.s32 s4;
	_ =	sdelay $0x1  }
0xa1: {  	s23 =	simm.s32 $0x1B8B  }
0xa2: {  	_ =	swait.ge [sflag:s23], $0x1  }
0xa3: {  	[sflag:s23] =	ssyncset.done $0x0  }
0xa4: {  	s25 =	simm.s32 $0x1B8E;
	s24 =	sld [smem:$0x3FFE];
	[sflag:s23] =	ssyncadd.s32 $0xFFFFFFFF  }
0xa5: {  	s26 =	simm.s32 $execute0_lowered;
	[smem:$0x3FD2] =	sst s25  }
0xa6: {  	s5 =	sshll.u32 s26, $0x1;
	_ =	strace $0x80000049;
	[dreg:$0x1] =	wrdreg $0xFFFFFFFF  }
0xa7: {  	s28 =	simm.s32 $_size_execute0_lowered;
	s3 =	sadd.s32 s3, s5;
	[dreg:$0x0] =	wrdreg $0x0  }
0xa8: {  	s5 =	sshll.u32 s28, $0x1;
	[dreg:$0x2] =	wrdreg s3  }
0xa9: {  	[dreg:$0x3] =	wrdreg s5  }
0xaa: {  	[dreg:$0x4] =	wrdreg $0xC0  }
0xab: {  	_ =	task [dreg:s7], $0x5FFFF  }
0xac: {  	[dreg:$0x1] =	wrdreg $0xFFFFFFFF  }
0xad: {  	[dreg:$0x0] =	wrdreg $0x60  }
0xae: {  	[dreg:$0x2] =	wrdreg s2  }
0xaf: {  	[dreg:$0x3] =	wrdreg s24  }
0xb0: {  	[dreg:$0x4] =	wrdreg $0x9  }
0xb1: {  	_ =	task.clear_ibuf [dreg:s7], $0x5FFFF;
	_ =	strace $0x90000049  }
0xb2: {  	s29 =	simm.s32 $0x9;
	_ =	strace $0x8000004B  }
0xb3: {  	_ =	swait.ge [sflag:s29], $0x1  }
0xb4: {  	[sflag:s29] =	ssyncadd.s32 $0xFFFFFFFF  }
0xb5: {  	_ =	strace $0x9000004B  }
0xb6: {  	_ =	sfence  }
0xb7: {  	s30 =	sld [smem:$0x0];
	_ =	sdelay $0x2  }
0xb8: {  	s31 =	sshll.u32 s1, $0xD;
	s1 =	sshrl.u32 s1, $0x2  }
0xb9: {  	s3 =	sand.u32 $0x4000, s31;
	s1 =	sadd.s32 s1, s30  }
0xba: {  	s0 =	sor.u32 s3, s0;
	s1 =	sshll.u32 s1, $0x11  }
0xbb: {  	s0 =	sor.u32 s1, s0  }
0xbc: {  	s0 =	sadd.s32 $0x8F2B, s0  }
0xbd: {  	[sflag:s0] =	ssyncadd.remote.s32 $0x1  }
0xbe: {  	_ =	sfence.sel $0xFFFF  }
0xbf: {  	[dreg:$0x0] =	wrdreg $0xFFFFFFFF;
	(pc) =	sbr.abs _section_cstart, $3  }
0xc0: {  	[dreg:$0x1] =	wrdreg $0xFFFFFFFF  }
0xc1: {  	_ =	task.clear_ibuf [dreg:s7], $0x2FFFF;
	_ =	strace $0x9FFFFFFF  }
0xc2: {  	(tm) =	ssettm $0x7FFFFFFF  }
0xc3: {  	_ =	shalt  }
tec
execute0_lowered:
.L_overlay_start_1:
0x0: {  	(tag) =	ssettag $0x1  }
0x1: {  	s1 =	srdreg.scid;
	s2 =	rddreg [dreg:$0x0]  }
0x2: {  	s0 =	stileid.u32;
	s6 =	rddreg [dreg:$0x1];
	s3 =	simm.s32 $0x0  }
0x3: {  	s9 =	simm.s32 $0x3;
	s10 =	simm.s32 $0x2780;
	s11 =	simm.s32 $0x50  }
0x4: {  	s12 =	simm.s32 $0x4F00;
	s5 =	sand.u32 $0x1, s1;
	s30 =	sshll.u32 s0, $0x1  }
0x5: {  	s13 =	simm.s32 $0x7700;
	s14 =	simm.s32 $0x1;
	s4 =	sor.u32 s5, s30  }
0x6: {  	s15 =	simm.s32 $0x2;
	s1 =	rddreg [dreg:$0x2];
	s4 =	smul.u32 $0x2710, s4  }
0x7: {  	s16 =	simm.s32 $0x0;
	[smem:$0x7FF] =	sst s3;
	s8 =	ssub.s32 $0x2, s5  }
0x8: {  	_ =	strace $0x8000004A;
	s31 =	sshrl.u32 s8, $0x1;
	s7 =	sshrl.u32 s4, $0x3  }
0x9: {  	s5 =	sadd.s32 $0x14C00, s6;
	s8 =	ssub.s32 s8, s31;
	s7 =	sadd.s32 s7, s6  }
0xa: {  	s8 =	smax.u32 s8, $0x1;
	s6 =	sadd.s32 $0xAE00, s7;
	s7 =	sadd.s32 $0x1000, s7  }
.LBB2_1:
0xb: {  	[tilespmem:s3], [sflag:$0x3] =	stream.linear.gather [hbm4b:s6+s3], $0x2710, $0x38;
	[tilespmem:$0x9F00] =	vst v63  }
0xc: {  	_ =	swait.ge [sflag:s9], $0x2710  }
0xd: {  	[sflag:s9] =	ssyncset.done $0x0  }
0xe: {  	[sflag:s9] =	ssyncadd.s32 $0xFFFFD8F0  }
0xf: {  	[tilespmem:s10], [sflag:$0x3] =	stream.linear.gather [hbm4b:s7+s3], $0x2710, $0x38;
	[tilespmem:$0x9F00] =	vst v63  }
0x10: {  	_ =	swait.ge [sflag:s9], $0x2710  }
0x11: {  	[sflag:s9] =	ssyncset.done $0x0  }
0x12: {  	s17 =	simm.s32 $0x0;
	s18 =	simm.s32 $0x40;
	[sflag:s9] =	ssyncadd.s32 $0xFFFFD8F0  }
.LBB2_2:
0x13: {  	p0 =	sne.s32 s18, $0x9C00;
	v0 =	vld [tilespmem:s17+$0x2780];
	_ =	sdelay $0x1  }
.Ltmp0:
0x14: {  	(pc) =	sbr.rel @p0 .LBB2_2-.Ltmp0, $3  }
0x15: {  	_ =	sdelay $0x1  }
0x16: {  	v0 =	vadd.s32 $0x2800, v0  }
0x17: {  	[tilespmem:s17+$0x2780] =	vst v0;
	s17 =	sshra.s32 s18, $0x2;
	s18 =	sadd.s32 $0x40, s18  }
0x18: {  	v0 =	vld [tilespmem:s17+$0x2780];
	_ =	sdelay $0x4  }
0x19: {  	v0 =	vadd.s32 $0x2800, v0  }
0x1a: {  	[tilespmem:s17+$0x2780] =	vst v0;
	s17 =	simm.s32 $0x0  }
.LBB2_4:
0x1b: {  	s18 =	smul.u32 $0x50, s17;
	_ =	sdelay $0x1  }
0x1c: {  	[tilespmem:s12], [sflag:$0x1] =	stream.indirect.gather [hbm4b:s2+s11], $0x80, s18, s11, $0xb8;
	[tilespmem:$0x9F00] =	vst v63  }
0x1d: {  	s19 =	sadd.s32 $0x2780, s18  }
0x1e: {  	[tilespmem:s13], [sflag:$0x2] =	stream.indirect.gather [hbm4b:s2+s11], $0x80, s19, s11, $0xb8;
	[tilespmem:$0x9F00] =	vst v63  }
0x1f: {  	_ =	swait.ge [sflag:s14], $0x2800  }
0x20: {  	[sflag:s14] =	ssyncset.done $0x0  }
0x21: {  	[sflag:s14] =	ssyncadd.s32 $0xFFFFD800  }
0x22: {  	_ =	swait.ge [sflag:s15], $0x2800  }
0x23: {  	[sflag:s15] =	ssyncset.done $0x0  }
0x24: {  	s19 =	simm.s32 $0x0;
	[sflag:s15] =	ssyncadd.s32 $0xFFFFD800  }
0x25: {  	v6 =	vld [tilespmem:s19+$0x4F00]  }
0x26: {  	v11 =	vld [tilespmem:s19+$0x4F10]  }
0x27: {  	v5 =	vld [tilespmem:s19+$0x4F20]  }
0x28: {  	v4 =	vld [tilespmem:s19+$0x4F30]  }
0x29: {  	v3 =	vld [tilespmem:s19+$0x4F40]  }
0x2a: {  	v2 =	vld [tilespmem:s19+$0x4F50]  }
0x2b: {  	v1 =	vld [tilespmem:s19+$0x4F60]  }
0x2c: {  	v0 =	vld [tilespmem:s19+$0x4F70]  }
0x2d: {  	v12 =	vld [tilespmem:s19+$0x7700]  }
0x2e: {  	v13 =	vld [tilespmem:s19+$0x7710]  }
0x2f: {  	v10 =	vld [tilespmem:s19+$0x7720]  }
0x30: {  	v9 =	vld [tilespmem:s19+$0x7730]  }
0x31: {  	v8 =	vld [tilespmem:s19+$0x7740]  }
0x32: {  	v7 =	vld [tilespmem:s19+$0x7750];
	v12 =	vadd.f32 v12, v6  }
0x33: {  	s20 =	simm.s32 $0x200;
	v11 =	vadd.f32 v13, v11;
	v6 =	vld [tilespmem:s19+$0x7760]  }
.LBB2_5:
0x34: {  	s21 =	sshra.s32 s20, $0x2;
	p0 =	sne.s32 s20, $0x9E00;
	v12 =	vmax.f32 v12, $0.0e+00;
	v5 =	vadd.f32 v10, v5;
	v10 =	vld [tilespmem:s19+$0x7770]  }
0x35: {  	v13 =	vld [tilespmem:s21+$0x4F00];
	[tilespmem:s19+$0x7700] =	vst v12;
	v11 =	vmax.f32 v11, $0.0e+00;
	v4 =	vadd.f32 v9, v4  }
0x36: {  	v14 =	vld [tilespmem:s21+$0x4F10];
	[tilespmem:s19+$0x7710] =	vst v11;
	v9 =	vmax.f32 v5, $0.0e+00;
	v3 =	vadd.f32 v8, v3  }
0x37: {  	v5 =	vld [tilespmem:s21+$0x4F20];
	[tilespmem:s19+$0x7720] =	vst v9;
	v8 =	vmax.f32 v4, $0.0e+00;
	v2 =	vadd.f32 v7, v2  }
0x38: {  	v4 =	vld [tilespmem:s21+$0x4F30];
	[tilespmem:s19+$0x7730] =	vst v8;
	v7 =	vmax.f32 v3, $0.0e+00;
	v1 =	vadd.f32 v6, v1  }
0x39: {  	v3 =	vld [tilespmem:s21+$0x4F40];
	[tilespmem:s19+$0x7740] =	vst v7;
	v6 =	vmax.f32 v2, $0.0e+00;
	v0 =	vadd.f32 v10, v0  }
0x3a: {  	v2 =	vld [tilespmem:s21+$0x4F50];
	[tilespmem:s19+$0x7750] =	vst v6;
	v6 =	vmax.f32 v1, $0.0e+00  }
0x3b: {  	v1 =	vld [tilespmem:s21+$0x4F60];
	[tilespmem:s19+$0x7760] =	vst v6;
	v6 =	vmax.f32 v0, $0.0e+00  }
0x3c: {  	v0 =	vld [tilespmem:s21+$0x4F70];
	[tilespmem:s19+$0x7770] =	vst v6;
	s19 =	smov.u32 s21  }
0x3d: {  	v6 =	vld [tilespmem:s19+$0x7700]  }
0x3e: {  	v11 =	vld [tilespmem:s19+$0x7710]  }
.Ltmp1:
0x3f: {  	v10 =	vld [tilespmem:s19+$0x7720];
	(pc) =	sbr.rel @p0 .LBB2_5-.Ltmp1, $4  }
0x40: {  	v9 =	vld [tilespmem:s19+$0x7730]  }
0x41: {  	v8 =	vld [tilespmem:s19+$0x7740]  }
0x42: {  	v12 =	vadd.f32 v6, v13;
	v7 =	vld [tilespmem:s19+$0x7750]  }
0x43: {  	s20 =	sadd.s32 $0x200, s20;
	v11 =	vadd.f32 v11, v14;
	v6 =	vld [tilespmem:s19+$0x7760]  }
0x44: {  	v12 =	vmax.f32 v12, $0.0e+00;
	v5 =	vadd.f32 v10, v5;
	v63 =	vld [tilespmem:s19+$0x7770]  }
0x45: {  	[tilespmem:s19+$0x7700] =	vst v12;
	v11 =	vmax.f32 v11, $0.0e+00;
	v4 =	vadd.f32 v9, v4  }
0x46: {  	[tilespmem:s19+$0x7710] =	vst v11;
	v5 =	vmax.f32 v5, $0.0e+00;
	v3 =	vadd.f32 v8, v3  }
0x47: {  	[tilespmem:s19+$0x7720] =	vst v5;
	v4 =	vmax.f32 v4, $0.0e+00;
	v2 =	vadd.f32 v7, v2  }
0x48: {  	[tilespmem:s19+$0x7730] =	vst v4;
	v3 =	vmax.f32 v3, $0.0e+00;
	v1 =	vadd.f32 v6, v1  }
0x49: {  	[tilespmem:s19+$0x7740] =	vst v3;
	v2 =	vmax.f32 v2, $0.0e+00;
	v0 =	vadd.f32 v63, v0  }
0x4a: {  	s18 =	sadd.s32 s4, s18;
	s17 =	sadd.s32 $0x1, s17;
	[tilespmem:s19+$0x7750] =	vst v2;
	v1 =	vmax.f32 v1, $0.0e+00  }
0x4b: {  	s18 =	sshll.u32 s18, $0x4;
	p0 =	sne.s32 s17, $0x7D;
	[tilespmem:s19+$0x7760] =	vst v1;
	v0 =	vmax.f32 v0, $0.0e+00  }
.Ltmp2:
0x4c: {  	s18 =	sadd.s32 s5, s18;
	[tilespmem:s19+$0x7770] =	vst v0;
	(pc) =	sbr.rel @p0 .LBB2_4-.Ltmp2, $4  }
0x4d: {  	[hbm4b:s18+s3] =	stream.linear.scatter [tilespmem:s13], [sflag:$0x3], $0x2800, $0x38;
	[tilespmem:$0x9F00] =	vst v63  }
0x4e: {  	_ =	swait.ge [sflag:s9], $0x2800  }
0x4f: {  	[sflag:s9] =	ssyncset.done $0x0  }
0x50: {  	[sflag:s9] =	ssyncadd.s32 $0xFFFFD800  }
0x51: {  	s16 =	sadd.s32 $0x1, s16  }
0x52: {  	p0 =	sne.s32 s16, s8  }
.Ltmp3:
0x53: {  	_ = 	snop;
	(pc) =	sbr.rel @p0 .LBB2_1-.Ltmp3, $1  }
0x54: {  	_ =	sdelay $0x3  }
0x55: {  	_ =	sfence.sel $0x180000  }
0x56: {  	[bflag:$0x0] =	sbarrier.arrive $0xFFFF  }
0x57: {  	p0 =	sne.s32 s0, $0x0;
	_ =	strace $0x9000004A  }
0x58: {  	s0 =	sadd.s32 @!p0 $0x100000, s1;
	[bflag:$0x2] =	sbarrier.arrive $0xFFFF  }
0x59: {  	[sflag:s0] =	ssyncadd.tile.s32 @!p0 $0x1;
	_ =	shalt  }
.Lfunc_end2:
_tile_overlayer_lowered:
.L_overlay_start_2:
0x5a: {  	(tag) =	ssettag $0x2  }
0x5b: {  	s0 =	rddreg [dreg:$0x0];
	s2 =	stileid.u32  }
0x5c: {  	s1 =	rddreg [dreg:$0x1];
	p0 =	sne.s32 s2, $0x0  }
0x5d: {  	s3 =	rddreg [dreg:$0x2];
	[bflag:$0x3] =	sbarrier.arrive $0xFFFF;
	s2 =	simm.s32 @!p0 $0x1C03  }
0x5e: {  	[timem:s3], [sflag:s2] =	dma.local @!p0 [hbm:s0], s1  }
0x5f: {  	s0 =	simm.s32 @!p0 $0x3  }
0x60: {  	_ =	swait.ge @!p0 [sflag:s0], s1  }
0x61: {  	s1 =	ssub.s32 @!p0 $0x0, s1;
	[sflag:s0] =	ssyncset.done @!p0 $0x0  }
0x62: {  	[sflag:s0] =	ssyncadd.s32 @!p0 s1  }
0x63: {  	[bflag:$0x3] =	sbarrier.arrive $0xFFFF  }
0x64: {  	_ =	shalt  }

// kernel: kernel.7.cloned.1.call-start
scs
__scs_entry_jumppad:
0x0: {  	(pc) =	sbr.rel $0x88, $3  }
0x1: {  	(tag) =	ssettag $0x0;
	lr =	simm.s32 $0x1  }
0x2: {  	[smem:$0x3F97] =	sst lr;
	_ =	strace $0xD0000000  }
0x3: {  	_ = 	snop  }
0x4: {  	_ = 	snop  }
0x5: {  	_ = 	snop  }
0x6: {  	_ = 	snop  }
0x7: {  	_ = 	snop  }
__scs_overlays_trampoline_lowered:
0x8: {  	[smem:$0x3FA6] =	sst s0  }
0x9: {  	[smem:$0x3FA7] =	sst s1  }
0xa: {  	[smem:$0x3FA8] =	sst s2  }
0xb: {  	[smem:$0x3FA9] =	sst s3  }
0xc: {  	[smem:$0x3FAA] =	sst s4  }
0xd: {  	[smem:$0x3FAB] =	sst s5  }
0xe: {  	[smem:$0x3FAC] =	sst s6  }
0xf: {  	[smem:$0x3FAD] =	sst s7  }
0x10: {  	[smem:$0x3FAE] =	sst s8  }
0x11: {  	[smem:$0x3FAF] =	sst s9;
	s0 =	simm.s32 @!p0 $0x0  }
0x12: {  	s1 =	sld [smem:$0x3F95];
	s0 =	simm.s32 @p0 $0x1  }
0x13: {  	[smem:$0x3FB0] =	sst s0;
	s0 =	simm.s32 @!p1 $0x0  }
0x14: {  	s2 =	sld [smem:$0x3F94];
	s0 =	simm.s32 @p1 $0x1  }
0x15: {  	[smem:$0x3FB1] =	sst s0;
	s0 =	simm.s32 @!p2 $0x0  }
0x16: {  	s3 =	sld [smem:$0x3FDB];
	s0 =	simm.s32 @p2 $0x1  }
0x17: {  	s4 =	simm.s32 $0x1BF5;
	[smem:$0x3FB3] =	sst s0  }
0x18: {  	s0 =	sld [smem:$0x3F96];
	_ =	swait.ge [sflag:s4], $0x0  }
0x19: {  	s7 =	sld [smem:$0x3F97]  }
0x1a: {  	s8 =	sadd.s32 $0xFFFFE003, lr  }
0x1b: {  	s9 =	sadd.s32 $0xFFFFFEF7, lr;
	s5 =	simm.s32 $0xFFFFFFFF;
	p2 =	slt.u32 s8, $0xFFFFF086  }
0x1c: {  	p1 =	slt.u32 s9, $0xF7A;
	s5 =	simm.s32 @!p2 $0x0  }
0x1d: {  	s5 =	simm.s32 @p1 $0x1;
	p0 =	seq.s32 s7, s2  }
0x1e: {  	s7 =	smul.u32 @!p0 $0xF7A, s2;
	p2 =	seq.s32 @!p0 s5, $0x0  }
0x1f: {  	s9 =	smul.u32 $0xF7A, s1;
	s8 =	simm.s32 @!p0 $0x1BF5;
	p2 =	por !p2, p0  }
0x20: {  	[sflag:s8] =	ssyncset.s32 @!p0 $0xFFFFF086;
	s6 =	sadd.s32 @!p0 s3, s7;
	s7 =	simm.s32 @!p0 $0x108  }
0x21: {  	s3 =	sadd.s32 s3, s9;
	s6 =	sadd.s32 @!p0 $0x88, s6;
	s7 =	simm.s32 @p2 $0x1082  }
0x22: {  	[simem:s7], [sflag:s8] =	dma.local @!p0 [hbm:s6], $0xF7A  }
0x23: {  	s9 =	sor.u32 $0xD0000000, s2;
	s6 =	simm.s32 $0x108;
	_ =	swait.ge @!p0 [sflag:s8], $0x0  }
0x24: {  	s3 =	sadd.s32 $0x88, s3;
	s6 =	simm.s32 @!p1 $0x1082;
	[sflag:s4] =	ssyncset.s32 $0xFFFFF086  }
0x25: {  	[simem:s6], [sflag:s4] =	dma.local [hbm:s3], $0xF7A  }
0x26: {  	[smem:$0x3F97] =	sst s1;
	(tag) =	ssettag s2;
	_ =	strace s9  }
0x27: {  	s1 =	sld [smem:$0x3FA7]  }
0x28: {  	s2 =	sld [smem:$0x3FA8]  }
0x29: {  	s4 =	sld [smem:$0x3FAA]  }
0x2a: {  	p0 =	seq.s32 s5, $0x0;
	s5 =	sld [smem:$0x3FAB]  }
0x2b: {  	s6 =	sld [smem:$0x3FAC]  }
0x2c: {  	s7 =	sld [smem:$0x3FAD]  }
0x2d: {  	s3 =	simm.s32 $0x108;
	s8 =	sld [smem:$0x3FAE]  }
0x2e: {  	s3 =	simm.s32 @!p0 $0x1082;
	s9 =	sld [smem:$0x3FAF]  }
0x2f: {  	lr =	sadd.s32 s0, s3;
	s0 =	sld [smem:$0x3FA6]  }
0x30: {  	s3 =	sld [smem:$0x3FA9]  }
0x31: {  	[smem:$0x3FB2] =	sst s10  }
0x32: {  	s10 =	sld [smem:$0x3FB0];
	_ =	sdelay $0x3  }
0x33: {  	p0 =	seq.s32 s10, $0x1;
	s10 =	sld [smem:$0x3FB2];
	_ =	sdelay $0x3  }
0x34: {  	[smem:$0x3FB2] =	sst s10  }
0x35: {  	s10 =	sld [smem:$0x3FB1];
	_ =	sdelay $0x3  }
0x36: {  	p1 =	seq.s32 s10, $0x1;
	s10 =	sld [smem:$0x3FB2];
	_ =	sdelay $0x3  }
0x37: {  	[smem:$0x3FB2] =	sst s10  }
0x38: {  	s10 =	sld [smem:$0x3FB3]  }
0x39: {  	_ = 	snop;
	(pc) =	sbr.ind lr, $3  }
0x3a: {  	_ = 	snop  }
0x3b: {  	_ = 	snop  }
0x3c: {  	p2 =	seq.s32 s10, $0x1;
	s10 =	sld [smem:$0x3FB2]  }
0x3d: {  	_ =	shalt  }
0x3e: {  	_ =	shalt  }
0x3f: {  	_ =	shalt  }
0x40: {  	_ =	shalt  }
0x41: {  	_ =	shalt  }
0x42: {  	_ =	shalt  }
0x43: {  	_ =	shalt  }
0x44: {  	_ =	shalt  }
0x45: {  	_ =	shalt  }
0x46: {  	_ =	shalt  }
0x47: {  	_ =	shalt  }
0x48: {  	_ =	shalt  }
0x49: {  	_ =	shalt  }
0x4a: {  	_ =	shalt  }
0x4b: {  	_ =	shalt  }
0x4c: {  	_ =	shalt  }
0x4d: {  	_ =	shalt  }
0x4e: {  	_ =	shalt  }
0x4f: {  	_ =	shalt  }
0x50: {  	_ =	shalt  }
0x51: {  	_ =	shalt  }
0x52: {  	_ =	shalt  }
0x53: {  	_ =	shalt  }
0x54: {  	_ =	shalt  }
0x55: {  	_ =	shalt  }
0x56: {  	_ =	shalt  }
0x57: {  	_ =	shalt  }
0x58: {  	_ =	shalt  }
0x59: {  	_ =	shalt  }
0x5a: {  	_ =	shalt  }
0x5b: {  	_ =	shalt  }
0x5c: {  	_ =	shalt  }
0x5d: {  	_ =	shalt  }
0x5e: {  	_ =	shalt  }
0x5f: {  	_ =	shalt  }
0x60: {  	_ =	shalt  }
0x61: {  	_ =	shalt  }
0x62: {  	_ =	shalt  }
0x63: {  	_ =	shalt  }
0x64: {  	_ =	shalt  }
0x65: {  	_ =	shalt  }
0x66: {  	_ =	shalt  }
0x67: {  	_ =	shalt  }
0x68: {  	_ =	shalt  }
0x69: {  	_ =	shalt  }
0x6a: {  	_ =	shalt  }
0x6b: {  	_ =	shalt  }
0x6c: {  	_ =	shalt  }
0x6d: {  	_ =	shalt  }
0x6e: {  	_ =	shalt  }
0x6f: {  	_ =	shalt  }
0x70: {  	_ =	shalt  }
0x71: {  	_ =	shalt  }
0x72: {  	_ =	shalt  }
0x73: {  	_ =	shalt  }
0x74: {  	_ =	shalt  }
0x75: {  	_ =	shalt  }
0x76: {  	_ =	shalt  }
0x77: {  	_ =	shalt  }
0x78: {  	_ =	shalt  }
0x79: {  	_ =	shalt  }
0x7a: {  	_ =	shalt  }
0x7b: {  	_ =	shalt  }
0x7c: {  	_ =	shalt  }
0x7d: {  	_ =	shalt  }
0x7e: {  	_ =	shalt  }
0x7f: {  	_ =	shalt  }
0x80: {  	_ =	shalt  }
0x81: {  	_ =	shalt  }
0x82: {  	_ =	shalt  }
0x83: {  	_ =	shalt  }
0x84: {  	_ =	shalt  }
0x85: {  	_ =	shalt  }
0x86: {  	_ =	shalt  }
0x87: {  	_ =	shalt  }
.Lfunc_end0:
.L_simem_size_0:
called_computation_lowered:
.L_overlay_start_0:
0x88: {  	s2 =	sld [smem:$0x3FD9]  }
0x89: {  	s3 =	sld [smem:$0x3FFE];
	_ =	sdelay $0x1  }
0x8a: {  	s1 =	srdreg.scid  }
0x8b: {  	s0 =	sand.u32 $0x1, s1  }
0x8c: {  	s17 =	sshll.u32 s0, $0xA;
	s2 =	sadd.s32 s3, s2  }
0x8d: {  	s2 =	sadd.s32 s2, s17  }
0x8e: {  	[smem:$0x3FBE] =	sst s2  }
0x8f: {  	_ = 	snop  }
0x90: {  	s2 =	sld [smem:$0x3FD0];
	(tm) =	ssettm $0x1  }
0x91: {  	s18 =	sld [smem:$0x3FFB];
	_ =	sdelay $0x3  }
0x92: {  	_ =	strace s18  }
0x93: {  	s3 =	sld [smem:$0x3FFC];
	_ =	sdelay $0x3  }
0x94: {  	_ =	strace s3  }
0x95: {  	s3 =	sld [smem:$0x3FFD];
	_ =	sdelay $0x3  }
0x96: {  	_ =	strace s3  }
0x97: {  	_ =	strace $0x8FFFFFFF  }
0x98: {  	s19 =	sld [smem:$0x3FDB];
	_ =	sdelay $0x1  }
0x99: {  	s4 =	simm.s32 $_scs_section_size  }
0x9a: {  	s5 =	simm.s32 $_size__tile_overlayer_lowered;
	s6 =	simm.s32 $_tile_overlayer_lowered  }
0x9b: {  	s22 =	simm.s32 $0x1BFF;
	s21 =	sshll.u32 s6, $0x1;
	s3 =	sadd.s32 s4, s19  }
0x9c: {  	s7 =	simm.s32 $0x0;
	s20 =	sshll.u32 s5, $0x1;
	s5 =	sadd.s32 s21, s3  }
0x9d: {  	[timem:s7], [sflag:s22] =	dma.local [hbm:s5], s20  }
0x9e: {  	_ =	swait.ge [sflag:s22], s20  }
0x9f: {  	s4 =	ssub.s32 $0x0, s20;
	[sflag:s22] =	ssyncset.done $0x0  }
0xa0: {  	[sflag:s22] =	ssyncadd.s32 s4;
	_ =	sdelay $0x1  }
0xa1: {  	s23 =	simm.s32 $0x1B8B  }
0xa2: {  	_ =	swait.ge [sflag:s23], $0x1  }
0xa3: {  	[sflag:s23] =	ssyncset.done $0x0  }
0xa4: {  	s25 =	simm.s32 $0x1B8E;
	s24 =	sld [smem:$0x3FFE];
	[sflag:s23] =	ssyncadd.s32 $0xFFFFFFFF  }
0xa5: {  	s26 =	simm.s32 $execute0_lowered;
	[smem:$0x3FD2] =	sst s25  }
0xa6: {  	s5 =	sshll.u32 s26, $0x1;
	_ =	strace $0x80000046;
	[dreg:$0x1] =	wrdreg $0xFFFFFFFF  }
0xa7: {  	s28 =	simm.s32 $_size_execute0_lowered;
	s3 =	sadd.s32 s3, s5;
	[dreg:$0x0] =	wrdreg $0x0  }
0xa8: {  	s5 =	sshll.u32 s28, $0x1;
	[dreg:$0x2] =	wrdreg s3  }
0xa9: {  	[dreg:$0x3] =	wrdreg s5  }
0xaa: {  	[dreg:$0x4] =	wrdreg $0xC0  }
0xab: {  	_ =	task [dreg:s7], $0x5FFFF  }
0xac: {  	[dreg:$0x1] =	wrdreg $0xFFFFFFFF  }
0xad: {  	[dreg:$0x0] =	wrdreg $0x60  }
0xae: {  	[dreg:$0x2] =	wrdreg s2  }
0xaf: {  	[dreg:$0x3] =	wrdreg s24  }
0xb0: {  	[dreg:$0x4] =	wrdreg $0x88800  }
0xb1: {  	[dreg:$0x5] =	wrdreg $0x9  }
0xb2: {  	_ =	task.clear_ibuf [dreg:s7], $0x6FFFF;
	_ =	strace $0x90000046  }
0xb3: {  	s29 =	simm.s32 $0x9;
	_ =	strace $0x80000048  }
0xb4: {  	_ =	swait.ge [sflag:s29], $0x1  }
0xb5: {  	[sflag:s29] =	ssyncadd.s32 $0xFFFFFFFF  }
0xb6: {  	_ =	strace $0x90000048  }
0xb7: {  	_ =	sfence  }
0xb8: {  	s30 =	sld [smem:$0x0];
	_ =	sdelay $0x2  }
0xb9: {  	s31 =	sshll.u32 s1, $0xD;
	s1 =	sshrl.u32 s1, $0x2  }
0xba: {  	s3 =	sand.u32 $0x4000, s31;
	s1 =	sadd.s32 s1, s30  }
0xbb: {  	s0 =	sor.u32 s3, s0;
	s1 =	sshll.u32 s1, $0x11  }
0xbc: {  	s0 =	sor.u32 s1, s0  }
0xbd: {  	s0 =	sadd.s32 $0x8F2B, s0  }
0xbe: {  	[sflag:s0] =	ssyncadd.remote.s32 $0x1  }
0xbf: {  	_ =	sfence.sel $0xFFFF  }
0xc0: {  	[dreg:$0x0] =	wrdreg $0xFFFFFFFF;
	(pc) =	sbr.abs _section_cstart, $3  }
0xc1: {  	[dreg:$0x1] =	wrdreg $0xFFFFFFFF  }
0xc2: {  	_ =	task.clear_ibuf [dreg:s7], $0x2FFFF;
	_ =	strace $0x9FFFFFFF  }
0xc3: {  	(tm) =	ssettm $0x7FFFFFFF  }
tec
execute0_lowered:
.L_overlay_start_1:
0x0: {  	(tag) =	ssettag $0x1  }
0x1: {  	s1 =	rddreg [dreg:$0x0]  }
0x2: {  	s0 =	rddreg [dreg:$0x1];
	s24 =	stileid.u32  }
0x3: {  	s2 =	rddreg [dreg:$0x2];
	s7 =	smul.u32 $0x280, s24  }
0x4: {  	s3 =	srdreg.scid;
	s9 =	smul.u32 $0x2800, s24  }
0x5: {  	s4 =	simm.s32 $0x0;
	s3 =	sand.u32 $0x1, s3;
	s25 =	smul.u32 $0x50000, s24  }
0x6: {  	[smem:$0x7FF] =	sst s4;
	s29 =	smul.u32 $0x4E20, s24;
	s6 =	ssub.s32 $0x2, s3  }
0x7: {  	s5 =	smul.u32 $0x28000, s3;
	s8 =	sshrl.u32 s6, $0x1;
	s11 =	sadd.s32 $0x80, s7  }
0x8: {  	s13 =	sadd.s32 $0xC0, s7;
	s14 =	sadd.s32 $0x100, s7;
	s18 =	sadd.s32 $0x140, s7  }
0x9: {  	s19 =	sadd.s32 $0x180, s7;
	s20 =	sadd.s32 $0x1C0, s7;
	s23 =	sadd.s32 $0x200, s7  }
0xa: {  	s30 =	sshrl.u32 s25, $0x2;
	s5 =	sadd.s32 s5, s0;
	s6 =	ssub.s32 s6, s8  }
0xb: {  	s8 =	sor.u32 $0x40, s7;
	s12 =	sshll.u32 s11, $0x4;
	s5 =	sadd.s32 $0x14C00, s5  }
0xc: {  	s15 =	sshll.u32 s13, $0x4;
	s10 =	sshll.u32 s8, $0x4;
	s9 =	sadd.s32 s9, s5  }
0xd: {  	s16 =	sshll.u32 s14, $0x4;
	s10 =	sadd.s32 s10, s5;
	[dreg:$0x4] =	wrdreg s9  }
0xe: {  	s17 =	sshll.u32 s18, $0x4;
	s12 =	sadd.s32 s12, s5;
	[dreg:$0x5] =	wrdreg s10  }
0xf: {  	s21 =	sshll.u32 s19, $0x4;
	s15 =	sadd.s32 s15, s5;
	[dreg:$0x6] =	wrdreg s12  }
0x10: {  	s22 =	sshll.u32 s20, $0x4;
	s16 =	sadd.s32 s16, s5;
	[dreg:$0x7] =	wrdreg s15  }
0x11: {  	s7 =	sadd.s32 $0x240, s7;
	s17 =	sadd.s32 s17, s5;
	[dreg:$0x8] =	wrdreg s16  }
0x12: {  	s26 =	sshll.u32 s23, $0x4;
	s21 =	sadd.s32 s21, s5;
	[dreg:$0x9] =	wrdreg s17  }
0x13: {  	s20 =	sshll.u32 s20, $0x7;
	s22 =	sadd.s32 s22, s5;
	[dreg:$0xa] =	wrdreg s21  }
0x14: {  	s28 =	sshll.u32 s7, $0x4;
	[dreg:$0xb] =	wrdreg s22;
	s10 =	sadd.s32 s26, s5  }
0x15: {  	s5 =	sadd.s32 s28, s5;
	s15 =	sadd.s32 $0xAE00, s0;
	s16 =	sadd.s32 $0x1000, s0  }
0x16: {  	s17 =	sadd.s32 s30, s2;
	s21 =	smul.u32 $0x2710, s3;
	s9 =	sshll.u32 s13, $0x7  }
0x17: {  	s12 =	sshll.u32 s14, $0x7;
	s13 =	sshll.u32 s18, $0x7;
	s14 =	sshll.u32 s19, $0x7  }
0x18: {  	s22 =	sshll.u32 s23, $0x7;
	s23 =	sshll.u32 s7, $0x7;
	[dreg:$0xc] =	wrdreg s10  }
0x19: {  	[dreg:$0xd] =	wrdreg s5;
	s5 =	smax.u32 s6, $0x1;
	s6 =	sshll.u32 s8, $0x7  }
0x1a: {  	s8 =	sshll.u32 s11, $0x7;
	s11 =	sadd.s32 s9, s2;
	s18 =	sadd.s32 s13, s2  }
0x1b: {  	s19 =	sadd.s32 s14, s2;
	s25 =	sadd.s32 s22, s2;
	s26 =	sadd.s32 s23, s2  }
0x1c: {  	s30 =	sadd.s32 $0x2000, s17;
	_ =	strace $0x80000047;
	[dreg:$0xe] =	wrdreg s5  }
0x1d: {  	s31 =	sadd.s32 $0x4000, s17;
	s3 =	sadd.s32 $0x8000, s17;
	[dreg:$0x11] =	wrdreg s11  }
0x1e: {  	s7 =	sadd.s32 $0xE000, s17;
	s9 =	sadd.s32 $0x12000, s17;
	[dreg:$0x13] =	wrdreg s18  }
0x1f: {  	s13 =	simm.s32 $0x50;
	s14 =	simm.s32 $0x1880;
	[dreg:$0x14] =	wrdreg s19  }
0x20: {  	s22 =	simm.s32 $0x0;
	s0 =	sadd.s32 s6, s2;
	[dreg:$0x16] =	wrdreg s25  }
0x21: {  	s10 =	sadd.s32 s8, s2;
	[dreg:$0x17] =	wrdreg s26;
	s28 =	sadd.s32 $0x4E20, s21  }
0x22: {  	[dreg:$0x18] =	wrdreg s30;
	s5 =	sadd.s32 $0xA000, s17;
	s6 =	sadd.s32 $0xC000, s17  }
0x23: {  	s8 =	sadd.s32 $0x10000, s17;
	s11 =	simm.s32 $0x3;
	s18 =	simm.s32 $0x4080  }
0x24: {  	s19 =	simm.s32 $0x1;
	v0 =	vmov s21;
	s21 =	simm.s32 $0x1800;
	[dreg:$0xf] =	wrdreg s0  }
0x25: {  	[dreg:$0x10] =	wrdreg s10;
	s0 =	sadd.s32 s12, s2;
	s10 =	simm.s32 $0x6880  }
0x26: {  	s12 =	simm.s32 $0x800;
	[dreg:$0x12] =	wrdreg s0;
	s0 =	sadd.s32 s20, s2  }
0x27: {  	v2 =	vimm.f32 $0.0e+00;
	v1 =	vmov s28;
	s20 =	simm.s32 $0x2;
	[dreg:$0x15] =	wrdreg s0;
	s0 =	sadd.s32 $0x6000, s17  }
.LBB2_1:
0x28: {  	s23 =	simm.s32 $0x0;
	s24 =	simm.s32 $0x200  }
.LBB2_2:
0x29: {  	p0 =	sne.s32 s24, $0x7E00;
	[tilespmem:s23+$0x68F0] =	vst v2  }
0x2a: {  	[tilespmem:s23+$0x6880] =	vst v2  }
0x2b: {  	[tilespmem:s23+$0x6890] =	vst v2  }
.Ltmp0:
0x2c: {  	[tilespmem:s23+$0x68A0] =	vst v2;
	(pc) =	sbr.rel @p0 .LBB2_2-.Ltmp0, $4  }
0x2d: {  	[tilespmem:s23+$0x68B0] =	vst v2  }
0x2e: {  	[tilespmem:s23+$0x68C0] =	vst v2  }
0x2f: {  	[tilespmem:s23+$0x68D0] =	vst v2  }
0x30: {  	[tilespmem:s23+$0x68E0] =	vst v2;
	s23 =	sshra.s32 s24, $0x2;
	s24 =	sadd.s32 $0x200, s24  }
0x31: {  	[tilespmem:s23+$0x68F0] =	vst v2  }
0x32: {  	[tilespmem:s23+$0x6880] =	vst v2  }
0x33: {  	[tilespmem:s23+$0x6890] =	vst v2  }
0x34: {  	[tilespmem:s23+$0x68A0] =	vst v2  }
0x35: {  	[tilespmem:s23+$0x68B0] =	vst v2  }
0x36: {  	[tilespmem:s23+$0x68C0] =	vst v2  }
0x37: {  	[tilespmem:s23+$0x68D0] =	vst v2  }
0x38: {  	[tilespmem:s23+$0x68E0] =	vst v2  }
0x39: {  	[spmem:s17] =	stream.linear.scatter [tilespmem:s10], [sflag:$0x3], $0x2000, $0x38;
	[tilespmem:$0x1C880] =	vst v63  }
0x3a: {  	_ =	swait.ge [sflag:s11], $0x2000  }
0x3b: {  	[sflag:s11] =	ssyncset.done $0x0  }
0x3c: {  	s30 =	rddreg [dreg:$0x18];
	[sflag:s11] =	ssyncadd.s32 $0xFFFFE000  }
0x3d: {  	[spmem:s30] =	stream.linear.scatter [tilespmem:s10], [sflag:$0x3], $0x2000, $0x38;
	[tilespmem:$0x1C880] =	vst v63  }
0x3e: {  	_ =	swait.ge [sflag:s11], $0x2000  }
0x3f: {  	[sflag:s11] =	ssyncset.done $0x0  }
0x40: {  	[sflag:s11] =	ssyncadd.s32 $0xFFFFE000  }
0x41: {  	[spmem:s31] =	stream.linear.scatter [tilespmem:s10], [sflag:$0x3], $0x2000, $0x38;
	[tilespmem:$0x1C880] =	vst v63  }
0x42: {  	_ =	swait.ge [sflag:s11], $0x2000  }
0x43: {  	[sflag:s11] =	ssyncset.done $0x0  }
0x44: {  	[sflag:s11] =	ssyncadd.s32 $0xFFFFE000  }
0x45: {  	[spmem:s0] =	stream.linear.scatter [tilespmem:s10], [sflag:$0x3], $0x2000, $0x38;
	[tilespmem:$0x1C880] =	vst v63  }
0x46: {  	_ =	swait.ge [sflag:s11], $0x2000  }
0x47: {  	[sflag:s11] =	ssyncset.done $0x0  }
0x48: {  	[sflag:s11] =	ssyncadd.s32 $0xFFFFE000  }
0x49: {  	[spmem:s3] =	stream.linear.scatter [tilespmem:s10], [sflag:$0x3], $0x2000, $0x38;
	[tilespmem:$0x1C880] =	vst v63  }
0x4a: {  	_ =	swait.ge [sflag:s11], $0x2000  }
0x4b: {  	[sflag:s11] =	ssyncset.done $0x0  }
0x4c: {  	[sflag:s11] =	ssyncadd.s32 $0xFFFFE000  }
0x4d: {  	[spmem:s5] =	stream.linear.scatter [tilespmem:s10], [sflag:$0x3], $0x2000, $0x38;
	[tilespmem:$0x1C880] =	vst v63  }
0x4e: {  	_ =	swait.ge [sflag:s11], $0x2000  }
0x4f: {  	[sflag:s11] =	ssyncset.done $0x0  }
0x50: {  	[sflag:s11] =	ssyncadd.s32 $0xFFFFE000  }
0x51: {  	[spmem:s6] =	stream.linear.scatter [tilespmem:s10], [sflag:$0x3], $0x2000, $0x38;
	[tilespmem:$0x1C880] =	vst v63  }
0x52: {  	_ =	swait.ge [sflag:s11], $0x2000  }
0x53: {  	[sflag:s11] =	ssyncset.done $0x0  }
0x54: {  	[sflag:s11] =	ssyncadd.s32 $0xFFFFE000  }
0x55: {  	[spmem:s7] =	stream.linear.scatter [tilespmem:s10], [sflag:$0x3], $0x2000, $0x38;
	[tilespmem:$0x1C880] =	vst v63  }
0x56: {  	_ =	swait.ge [sflag:s11], $0x2000  }
0x57: {  	[sflag:s11] =	ssyncset.done $0x0  }
0x58: {  	[sflag:s11] =	ssyncadd.s32 $0xFFFFE000  }
0x59: {  	[spmem:s8] =	stream.linear.scatter [tilespmem:s10], [sflag:$0x3], $0x2000, $0x38;
	[tilespmem:$0x1C880] =	vst v63  }
0x5a: {  	_ =	swait.ge [sflag:s11], $0x2000  }
0x5b: {  	[sflag:s11] =	ssyncset.done $0x0  }
0x5c: {  	[sflag:s11] =	ssyncadd.s32 $0xFFFFE000  }
0x5d: {  	[spmem:s9] =	stream.linear.scatter [tilespmem:s10], [sflag:$0x3], $0x2000, $0x38;
	[tilespmem:$0x1C880] =	vst v63  }
0x5e: {  	_ =	swait.ge [sflag:s11], $0x2000  }
0x5f: {  	[sflag:s11] =	ssyncset.done $0x0  }
0x60: {  	[sflag:s11] =	ssyncadd.s32 $0xFFFFE000  }
0x61: {  	s23 =	simm.s32 $0x0;
	s24 =	simm.s32 $0x0;
	[bflag:$0x0] =	sbarrier.arrive $0xFFFF  }
.LBB2_4:
0x62: {  	s25 =	smul.u32 $0x7D0, s24;
	_ =	sdelay $0x1  }
0x63: {  	s25 =	sadd.s32 s29, s25  }
0x64: {  	s25 =	sshrl.u32 s25, $0x3  }
0x65: {  	s26 =	sadd.s32 s15, s25  }
0x66: {  	[tilespmem:s23], [sflag:$0x3] =	stream.linear.gather [hbm4b:s26+s23], $0x7D0, $0x38;
	[tilespmem:$0x1C880] =	vst v63  }
0x67: {  	_ =	swait.ge [sflag:s11], $0x7D0  }
0x68: {  	[sflag:s11] =	ssyncset.done $0x0  }
0x69: {  	s25 =	sadd.s32 s16, s25;
	[sflag:s11] =	ssyncadd.s32 $0xFFFFF830  }
0x6a: {  	[tilespmem:s12], [sflag:$0x3] =	stream.linear.gather [hbm4b:s25+s23], $0x7D0, $0x38;
	[tilespmem:$0x1C880] =	vst v63  }
0x6b: {  	_ =	swait.ge [sflag:s11], $0x7D0  }
0x6c: {  	[sflag:s11] =	ssyncset.done $0x0  }
0x6d: {  	s25 =	simm.s32 $0x0;
	[sflag:s11] =	ssyncadd.s32 $0xFFFFF830  }
0x6e: {  	v3 =	vld [tilespmem:s25+$0x0]  }
0x6f: {  	v4 =	vld [tilespmem:s25+$0x800];
	_ =	sdelay $0x3  }
0x70: {  	v3 =	vadd.s32 v0, v3  }
0x71: {  	s28 =	simm.s32 $0x80;
	s26 =	simm.s32 $0x10;
	[tilespmem:s25+$0x0] =	vst v3;
	v3 =	vadd.s32 v1, v4  }
.LBB2_5:
0x72: {  	p0 =	sne.s32 s28, $0x1F00;
	v4 =	vld [tilespmem:s26+$0x0];
	[tilespmem:s25+$0x1000] =	vst v3;
	s25 =	smov.u32 s26  }
0x73: {  	v3 =	vld [tilespmem:s25+$0x800]  }
.Ltmp1:
0x74: {  	(pc) =	sbr.rel @p0 .LBB2_5-.Ltmp1, $3  }
0x75: {  	_ =	sdelay $0x1  }
0x76: {  	v4 =	vadd.s32 v0, v4  }
0x77: {  	s26 =	sshra.s32 s28, $0x2;
	s28 =	sadd.s32 $0x40, s28;
	[tilespmem:s25+$0x0] =	vst v4;
	v3 =	vadd.s32 v1, v3  }
0x78: {  	v4 =	vld [tilespmem:s26+$0x0];
	[tilespmem:s25+$0x1000] =	vst v3  }
0x79: {  	v3 =	vld [tilespmem:s26+$0x800];
	_ =	sdelay $0x3  }
0x7a: {  	v4 =	vadd.s32 v0, v4  }
0x7b: {  	[tilespmem:s26+$0x0] =	vst v4;
	v3 =	vadd.s32 v1, v3  }
0x7c: {  	s25 =	simm.s32 $0x0;
	[tilespmem:s26+$0x1000] =	vst v3  }
.LBB2_7:
0x7d: {  	s26 =	smul.u32 $0x50, s25;
	_ =	sdelay $0x1  }
0x7e: {  	v3 =	vld [tilespmem:s26+$0x800];
	_ =	sdelay $0x4  }
0x7f: {  	[tilespmem:$0x1800] =	vst v3  }
0x80: {  	v3 =	vld [tilespmem:s26+$0x810];
	_ =	sdelay $0x4  }
0x81: {  	[tilespmem:$0x1810] =	vst v3  }
0x82: {  	v3 =	vld [tilespmem:s26+$0x820];
	_ =	sdelay $0x4  }
0x83: {  	[tilespmem:$0x1820] =	vst v3  }
0x84: {  	v3 =	vld [tilespmem:s26+$0x830];
	_ =	sdelay $0x4  }
0x85: {  	[tilespmem:$0x1830] =	vst v3  }
0x86: {  	v3 =	vld [tilespmem:s26+$0x840];
	_ =	sdelay $0x4  }
0x87: {  	[tilespmem:$0x1840] =	vst v3  }
0x88: {  	[tilespmem:s14], [sflag:$0x1] =	stream.indirect.gather [hbm4b:s1+s13], $0x80, s26, s13, $0xb8;
	[tilespmem:$0x1C880] =	vst v63  }
0x89: {  	s26 =	sadd.s32 $0x1000, s26  }
0x8a: {  	[tilespmem:s18], [sflag:$0x2] =	stream.indirect.gather [hbm4b:s1+s13], $0x80, s26, s13, $0xb8;
	[tilespmem:$0x1C880] =	vst v63  }
0x8b: {  	_ =	swait.ge [sflag:s19], $0x2800  }
0x8c: {  	[sflag:s19] =	ssyncset.done $0x0  }
0x8d: {  	[sflag:s19] =	ssyncadd.s32 $0xFFFFD800  }
0x8e: {  	_ =	swait.ge [sflag:s20], $0x2800  }
0x8f: {  	[sflag:s20] =	ssyncset.done $0x0  }
0x90: {  	s26 =	simm.s32 $0x0;
	[sflag:s20] =	ssyncadd.s32 $0xFFFFD800  }
0x91: {  	v9 =	vld [tilespmem:s26+$0x1880]  }
0x92: {  	v14 =	vld [tilespmem:s26+$0x1890]  }
0x93: {  	v8 =	vld [tilespmem:s26+$0x18A0]  }
0x94: {  	v7 =	vld [tilespmem:s26+$0x18B0]  }
0x95: {  	v6 =	vld [tilespmem:s26+$0x18C0]  }
0x96: {  	v5 =	vld [tilespmem:s26+$0x18D0]  }
0x97: {  	v4 =	vld [tilespmem:s26+$0x18E0]  }
0x98: {  	v3 =	vld [tilespmem:s26+$0x18F0]  }
0x99: {  	v15 =	vld [tilespmem:s26+$0x4080]  }
0x9a: {  	p0 =	por $0x1, $0x1;
	v16 =	vld [tilespmem:s26+$0x4090]  }
.Ltmp2:
0x9b: {  	v13 =	vld [tilespmem:s26+$0x40A0];
	(pc) =	sbr.rel @!p0 .LBB2_9-.Ltmp2, $4  }
0x9c: {  	v12 =	vld [tilespmem:s26+$0x40B0]  }
0x9d: {  	v11 =	vld [tilespmem:s26+$0x40C0]  }
0x9e: {  	v10 =	vld [tilespmem:s26+$0x40D0];
	v15 =	vadd.f32 v15, v9  }
0x9f: {  	s28 =	simm.s32 $0x200;
	v14 =	vadd.f32 v16, v14;
	v9 =	vld [tilespmem:s26+$0x40E0]  }
.LBB2_8:
0xa0: {  	s30 =	sshra.s32 s28, $0x2;
	p0 =	sne.s32 s28, $0x9E00;
	v15 =	vmax.f32 v15, $0.0e+00;
	v8 =	vadd.f32 v13, v8;
	v13 =	vld [tilespmem:s26+$0x40F0]  }
0xa1: {  	v16 =	vld [tilespmem:s30+$0x1880];
	[tilespmem:s26+$0x4080] =	vst v15;
	v14 =	vmax.f32 v14, $0.0e+00;
	v7 =	vadd.f32 v12, v7  }
0xa2: {  	v17 =	vld [tilespmem:s30+$0x1890];
	[tilespmem:s26+$0x4090] =	vst v14;
	v12 =	vmax.f32 v8, $0.0e+00;
	v6 =	vadd.f32 v11, v6  }
0xa3: {  	v8 =	vld [tilespmem:s30+$0x18A0];
	[tilespmem:s26+$0x40A0] =	vst v12;
	v11 =	vmax.f32 v7, $0.0e+00;
	v5 =	vadd.f32 v10, v5  }
0xa4: {  	v7 =	vld [tilespmem:s30+$0x18B0];
	[tilespmem:s26+$0x40B0] =	vst v11;
	v10 =	vmax.f32 v6, $0.0e+00;
	v4 =	vadd.f32 v9, v4  }
0xa5: {  	v6 =	vld [tilespmem:s30+$0x18C0];
	[tilespmem:s26+$0x40C0] =	vst v10;
	v9 =	vmax.f32 v5, $0.0e+00;
	v3 =	vadd.f32 v13, v3  }
0xa6: {  	v5 =	vld [tilespmem:s30+$0x18D0];
	[tilespmem:s26+$0x40D0] =	vst v9;
	v9 =	vmax.f32 v4, $0.0e+00  }
0xa7: {  	v4 =	vld [tilespmem:s30+$0x18E0];
	[tilespmem:s26+$0x40E0] =	vst v9;
	v9 =	vmax.f32 v3, $0.0e+00  }
0xa8: {  	v3 =	vld [tilespmem:s30+$0x18F0];
	[tilespmem:s26+$0x40F0] =	vst v9;
	s26 =	smov.u32 s30  }
0xa9: {  	v9 =	vld [tilespmem:s26+$0x4080]  }
0xaa: {  	v14 =	vld [tilespmem:s26+$0x4090]  }
.Ltmp3:
0xab: {  	v13 =	vld [tilespmem:s26+$0x40A0];
	(pc) =	sbr.rel @p0 .LBB2_8-.Ltmp3, $4  }
0xac: {  	v12 =	vld [tilespmem:s26+$0x40B0]  }
0xad: {  	v11 =	vld [tilespmem:s26+$0x40C0]  }
0xae: {  	v15 =	vadd.f32 v9, v16;
	v10 =	vld [tilespmem:s26+$0x40D0]  }
0xaf: {  	s28 =	sadd.s32 $0x200, s28;
	v14 =	vadd.f32 v14, v17;
	v9 =	vld [tilespmem:s26+$0x40E0]  }
.LBB2_9:
0xb0: {  	v15 =	vmax.f32 v15, $0.0e+00;
	v8 =	vadd.f32 v13, v8;
	v63 =	vld [tilespmem:s26+$0x40F0]  }
0xb1: {  	[tilespmem:s26+$0x4080] =	vst v15;
	v14 =	vmax.f32 v14, $0.0e+00;
	v7 =	vadd.f32 v12, v7  }
0xb2: {  	[tilespmem:s26+$0x4090] =	vst v14;
	v8 =	vmax.f32 v8, $0.0e+00;
	v6 =	vadd.f32 v11, v6  }
0xb3: {  	[tilespmem:s26+$0x40A0] =	vst v8;
	v7 =	vmax.f32 v7, $0.0e+00;
	v5 =	vadd.f32 v10, v5  }
0xb4: {  	[tilespmem:s26+$0x40B0] =	vst v7;
	v6 =	vmax.f32 v6, $0.0e+00;
	v4 =	vadd.f32 v9, v4  }
0xb5: {  	[tilespmem:s26+$0x40C0] =	vst v6;
	v5 =	vmax.f32 v5, $0.0e+00;
	v3 =	vadd.f32 v63, v3  }
0xb6: {  	s25 =	sadd.s32 $0x1, s25;
	[tilespmem:s26+$0x40D0] =	vst v5;
	v4 =	vmax.f32 v4, $0.0e+00  }
0xb7: {  	p0 =	sne.s32 s25, $0x19;
	[tilespmem:s26+$0x40E0] =	vst v4;
	v3 =	vmax.f32 v3, $0.0e+00  }
.Ltmp4:
0xb8: {  	[tilespmem:s26+$0x40F0] =	vst v3;
	(pc) =	sbr.rel @p0 .LBB2_7-.Ltmp4, $4  }
0xb9: {  	[spmem:s2] =	stream.indirect.scatter.add.f32 [tilespmem:s18], [sflag:$0x3], $0x80, s21, s13, $0xb8;
	[tilespmem:$0x1C880] =	vst v63  }
0xba: {  	_ =	swait.ge [sflag:s11], $0x2800  }
0xbb: {  	[sflag:s11] =	ssyncset.done $0x0  }
0xbc: {  	[sflag:s11] =	ssyncadd.s32 $0xFFFFD800  }
0xbd: {  	s24 =	sadd.s32 $0x1, s24  }
0xbe: {  	p0 =	sne.s32 s24, $0xA  }
.Ltmp5:
0xbf: {  	_ = 	snop;
	(pc) =	sbr.rel @p0 .LBB2_4-.Ltmp5, $1  }
0xc0: {  	_ =	sdelay $0x3  }
0xc1: {  	[bflag:$0x0] =	sbarrier.arrive $0xFFFF  }
0xc2: {  	[tilespmem:s10], [sflag:$0x3] =	stream.linear.gather [spmem:s17], $0x2000, $0x38;
	[tilespmem:$0x1C880] =	vst v63  }
0xc3: {  	_ =	swait.ge [sflag:s11], $0x2000  }
0xc4: {  	[sflag:s11] =	ssyncset.done $0x0  }
0xc5: {  	s23 =	rddreg [dreg:$0x4];
	[sflag:s11] =	ssyncadd.s32 $0xFFFFE000  }
0xc6: {  	[hbm4b:s23+s4] =	stream.linear.scatter [tilespmem:s10], [sflag:$0x3], $0x2000, $0x38;
	[tilespmem:$0x1C880] =	vst v63  }
0xc7: {  	_ =	swait.ge [sflag:s11], $0x2000  }
0xc8: {  	[sflag:s11] =	ssyncset.done $0x0  }
0xc9: {  	s25 =	rddreg [dreg:$0xf];
	[sflag:s11] =	ssyncadd.s32 $0xFFFFE000  }
0xca: {  	[tilespmem:s10], [sflag:$0x3] =	stream.linear.gather [spmem:s25], $0x2000, $0x38;
	[tilespmem:$0x1C880] =	vst v63  }
0xcb: {  	_ =	swait.ge [sflag:s11], $0x2000  }
0xcc: {  	[sflag:s11] =	ssyncset.done $0x0  }
0xcd: {  	s26 =	rddreg [dreg:$0x5];
	[sflag:s11] =	ssyncadd.s32 $0xFFFFE000  }
0xce: {  	[hbm4b:s26+s4] =	stream.linear.scatter [tilespmem:s10], [sflag:$0x3], $0x2000, $0x38;
	[tilespmem:$0x1C880] =	vst v63  }
0xcf: {  	_ =	swait.ge [sflag:s11], $0x2000  }
0xd0: {  	[sflag:s11] =	ssyncset.done $0x0  }
0xd1: {  	s28 =	rddreg [dreg:$0x10];
	[sflag:s11] =	ssyncadd.s32 $0xFFFFE000  }
0xd2: {  	[tilespmem:s10], [sflag:$0x3] =	stream.linear.gather [spmem:s28], $0x2000, $0x38;
	[tilespmem:$0x1C880] =	vst v63  }
0xd3: {  	_ =	swait.ge [sflag:s11], $0x2000  }
0xd4: {  	[sflag:s11] =	ssyncset.done $0x0  }
0xd5: {  	s30 =	rddreg [dreg:$0x6];
	[sflag:s11] =	ssyncadd.s32 $0xFFFFE000  }
0xd6: {  	[hbm4b:s30+s4] =	stream.linear.scatter [tilespmem:s10], [sflag:$0x3], $0x2000, $0x38;
	[tilespmem:$0x1C880] =	vst v63  }
0xd7: {  	_ =	swait.ge [sflag:s11], $0x2000  }
0xd8: {  	[sflag:s11] =	ssyncset.done $0x0  }
0xd9: {  	s24 =	rddreg [dreg:$0x11];
	[sflag:s11] =	ssyncadd.s32 $0xFFFFE000  }
0xda: {  	[tilespmem:s10], [sflag:$0x3] =	stream.linear.gather [spmem:s24], $0x2000, $0x38;
	[tilespmem:$0x1C880] =	vst v63  }
0xdb: {  	_ =	swait.ge [sflag:s11], $0x2000  }
0xdc: {  	[sflag:s11] =	ssyncset.done $0x0  }
0xdd: {  	s25 =	rddreg [dreg:$0x7];
	[sflag:s11] =	ssyncadd.s32 $0xFFFFE000  }
0xde: {  	[hbm4b:s25+s4] =	stream.linear.scatter [tilespmem:s10], [sflag:$0x3], $0x2000, $0x38;
	[tilespmem:$0x1C880] =	vst v63  }
0xdf: {  	_ =	swait.ge [sflag:s11], $0x2000  }
0xe0: {  	[sflag:s11] =	ssyncset.done $0x0  }
0xe1: {  	s26 =	rddreg [dreg:$0x12];
	[sflag:s11] =	ssyncadd.s32 $0xFFFFE000  }
0xe2: {  	[tilespmem:s10], [sflag:$0x3] =	stream.linear.gather [spmem:s26], $0x2000, $0x38;
	[tilespmem:$0x1C880] =	vst v63  }
0xe3: {  	_ =	swait.ge [sflag:s11], $0x2000  }
0xe4: {  	[sflag:s11] =	ssyncset.done $0x0  }
0xe5: {  	s28 =	rddreg [dreg:$0x8];
	[sflag:s11] =	ssyncadd.s32 $0xFFFFE000  }
0xe6: {  	[hbm4b:s28+s4] =	stream.linear.scatter [tilespmem:s10], [sflag:$0x3], $0x2000, $0x38;
	[tilespmem:$0x1C880] =	vst v63  }
0xe7: {  	_ =	swait.ge [sflag:s11], $0x2000  }
0xe8: {  	[sflag:s11] =	ssyncset.done $0x0  }
0xe9: {  	s30 =	rddreg [dreg:$0x13];
	[sflag:s11] =	ssyncadd.s32 $0xFFFFE000  }
0xea: {  	[tilespmem:s10], [sflag:$0x3] =	stream.linear.gather [spmem:s30], $0x2000, $0x38;
	[tilespmem:$0x1C880] =	vst v63  }
0xeb: {  	_ =	swait.ge [sflag:s11], $0x2000  }
0xec: {  	[sflag:s11] =	ssyncset.done $0x0  }
0xed: {  	s24 =	rddreg [dreg:$0x9];
	[sflag:s11] =	ssyncadd.s32 $0xFFFFE000  }
0xee: {  	[hbm4b:s24+s4] =	stream.linear.scatter [tilespmem:s10], [sflag:$0x3], $0x2000, $0x38;
	[tilespmem:$0x1C880] =	vst v63  }
0xef: {  	_ =	swait.ge [sflag:s11], $0x2000  }
0xf0: {  	[sflag:s11] =	ssyncset.done $0x0  }
0xf1: {  	s25 =	rddreg [dreg:$0x14];
	[sflag:s11] =	ssyncadd.s32 $0xFFFFE000  }
0xf2: {  	[tilespmem:s10], [sflag:$0x3] =	stream.linear.gather [spmem:s25], $0x2000, $0x38;
	[tilespmem:$0x1C880] =	vst v63  }
0xf3: {  	_ =	swait.ge [sflag:s11], $0x2000  }
0xf4: {  	[sflag:s11] =	ssyncset.done $0x0  }
0xf5: {  	s26 =	rddreg [dreg:$0xa];
	[sflag:s11] =	ssyncadd.s32 $0xFFFFE000  }
0xf6: {  	[hbm4b:s26+s4] =	stream.linear.scatter [tilespmem:s10], [sflag:$0x3], $0x2000, $0x38;
	[tilespmem:$0x1C880] =	vst v63  }
0xf7: {  	_ =	swait.ge [sflag:s11], $0x2000  }
0xf8: {  	[sflag:s11] =	ssyncset.done $0x0  }
0xf9: {  	s28 =	rddreg [dreg:$0x15];
	[sflag:s11] =	ssyncadd.s32 $0xFFFFE000  }
0xfa: {  	[tilespmem:s10], [sflag:$0x3] =	stream.linear.gather [spmem:s28], $0x2000, $0x38;
	[tilespmem:$0x1C880] =	vst v63  }
0xfb: {  	_ =	swait.ge [sflag:s11], $0x2000  }
0xfc: {  	[sflag:s11] =	ssyncset.done $0x0  }
0xfd: {  	s30 =	rddreg [dreg:$0xb];
	[sflag:s11] =	ssyncadd.s32 $0xFFFFE000  }
0xfe: {  	[hbm4b:s30+s4] =	stream.linear.scatter [tilespmem:s10], [sflag:$0x3], $0x2000, $0x38;
	[tilespmem:$0x1C880] =	vst v63  }
0xff: {  	_ =	swait.ge [sflag:s11], $0x2000  }
0x100: {  	[sflag:s11] =	ssyncset.done $0x0  }
0x101: {  	s24 =	rddreg [dreg:$0x16];
	[sflag:s11] =	ssyncadd.s32 $0xFFFFE000  }
0x102: {  	[tilespmem:s10], [sflag:$0x3] =	stream.linear.gather [spmem:s24], $0x2000, $0x38;
	[tilespmem:$0x1C880] =	vst v63  }
0x103: {  	_ =	swait.ge [sflag:s11], $0x2000  }
0x104: {  	[sflag:s11] =	ssyncset.done $0x0  }
0x105: {  	s25 =	rddreg [dreg:$0xc];
	[sflag:s11] =	ssyncadd.s32 $0xFFFFE000  }
0x106: {  	[hbm4b:s25+s4] =	stream.linear.scatter [tilespmem:s10], [sflag:$0x3], $0x2000, $0x38;
	[tilespmem:$0x1C880] =	vst v63  }
0x107: {  	_ =	swait.ge [sflag:s11], $0x2000  }
0x108: {  	[sflag:s11] =	ssyncset.done $0x0  }
0x109: {  	s26 =	rddreg [dreg:$0x17];
	[sflag:s11] =	ssyncadd.s32 $0xFFFFE000  }
0x10a: {  	[tilespmem:s10], [sflag:$0x3] =	stream.linear.gather [spmem:s26], $0x2000, $0x38;
	[tilespmem:$0x1C880] =	vst v63  }
0x10b: {  	_ =	swait.ge [sflag:s11], $0x2000  }
0x10c: {  	[sflag:s11] =	ssyncset.done $0x0  }
0x10d: {  	s28 =	rddreg [dreg:$0xd];
	[sflag:s11] =	ssyncadd.s32 $0xFFFFE000  }
0x10e: {  	[hbm4b:s28+s4] =	stream.linear.scatter [tilespmem:s10], [sflag:$0x3], $0x2000, $0x38;
	[tilespmem:$0x1C880] =	vst v63  }
0x10f: {  	_ =	swait.ge [sflag:s11], $0x2000  }
0x110: {  	s22 =	sadd.s32 $0x1, s22;
	s30 =	rddreg [dreg:$0xe]  }
0x111: {  	p0 =	sne.s32 s22, s30  }
.Ltmp6:
0x112: {  	_ = 	snop;
	(pc) =	sbr.rel @p0 .LBB2_1-.Ltmp6, $3  }
0x113: {  	_ =	sdelay $0x1  }
0x114: {  	[sflag:s11] =	ssyncset.done $0x0  }
0x115: {  	[sflag:s11] =	ssyncadd.s32 $0xFFFFE000  }
0x116: {  	_ =	sfence.sel $0x180000  }
0x117: {  	[bflag:$0x0] =	sbarrier.arrive $0xFFFF  }
0x118: {  	_ =	strace $0x90000047  }
0x119: {  	s0 =	stileid.u32;
	[bflag:$0x2] =	sbarrier.arrive $0xFFFF  }
0x11a: {  	p0 =	sne.s32 s0, $0x0;
	s0 =	rddreg [dreg:$0x3]  }
0x11b: {  	s0 =	sadd.s32 @!p0 $0x100000, s0  }
0x11c: {  	[sflag:s0] =	ssyncadd.tile.s32 @!p0 $0x1;
	_ =	shalt  }
.Lfunc_end2:
_tile_overlayer_lowered:
.L_overlay_start_2:
0x11d: {  	(tag) =	ssettag $0x2  }
0x11e: {  	s0 =	rddreg [dreg:$0x0];
	s2 =	stileid.u32  }
0x11f: {  	s1 =	rddreg [dreg:$0x1];
	p0 =	sne.s32 s2, $0x0  }
0x120: {  	s3 =	rddreg [dreg:$0x2];
	[bflag:$0x3] =	sbarrier.arrive $0xFFFF;
	s2 =	simm.s32 @!p0 $0x1C03  }
0x121: {  	[timem:s3], [sflag:s2] =	dma.local @!p0 [hbm:s0], s1  }
0x122: {  	s0 =	simm.s32 @!p0 $0x3  }
0x123: {  	_ =	swait.ge @!p0 [sflag:s0], s1  }
0x124: {  	s1 =	ssub.s32 @!p0 $0x0, s1;
	[sflag:s0] =	ssyncset.done @!p0 $0x0  }
0x125: {  	[sflag:s0] =	ssyncadd.s32 @!p0 s1  }
0x126: {  	[bflag:$0x3] =	sbarrier.arrive $0xFFFF  }
0x127: {  	_ =	shalt  }

</sc_bundles>
